<compile_context>
chip_gen: v7x
topology: tpu7x:2x2x1
jax: 0.10.2.dev20260603
libtpu: 0.0.44.dev20260713+nightly
codegen_flags: <defaults>
</compile_context>

<pallas_src>
import functools

import jax
import jax.numpy as jnp
from jax import lax
from jax.experimental import pallas as pl
from jax.experimental.pallas import tpu as pltpu
from jax.experimental.pallas import tpu_sc as plsc

VOCAB = 1000000
EMBED_DIM = 64
FOLD = 2
NROWS = VOCAB // FOLD
TC_BLOCK = 32768
TC_GRID = -(-NROWS // TC_BLOCK)
P_STRIDE = TC_GRID * TC_BLOCK

NUM_WORKERS = 32
CHUNK = 128
FIRE = 8


def _tc_matvec_body(t_ref, w_ref, b_ref, p_ref):
    p_ref[...] = (
        jax.lax.dot_general(
            w_ref[...], t_ref[...],
            dimension_numbers=(((1,), (1,)), ((), ())),
            preferred_element_type=jnp.float32,
        )
        + b_ref[0]
    )


def _project_table(table2, w2, b):
    return pl.pallas_call(
        _tc_matvec_body,
        grid=(TC_GRID,),
        in_specs=[
            pl.BlockSpec((TC_BLOCK, FOLD * EMBED_DIM), lambda i: (i, 0)),
            pl.BlockSpec((FOLD, FOLD * EMBED_DIM), lambda i: (0, 0)),
            pl.BlockSpec(memory_space=pltpu.SMEM),
        ],
        out_specs=pl.BlockSpec((FOLD, TC_BLOCK), lambda i: (0, i)),
        out_shape=jax.ShapeDtypeStruct((FOLD, P_STRIDE), jnp.float32),
    )(table2, w2, b)


def _sc_gather_body(rows_per_worker, p_hbm, idx_a_hbm, idx_b_hbm,
                    res_a_hbm, res_b_hbm, idx_v, out_v, sem):
    wid = lax.axis_index("s") * 2 + lax.axis_index("c")
    base = wid * rows_per_worker
    for idx_hbm, res_hbm in ((idx_a_hbm, res_a_hbm), (idx_b_hbm, res_b_hbm)):
        pltpu.sync_copy(idx_hbm.at[pl.ds(base, rows_per_worker)], idx_v)

        def step(jo, carry):
            j0 = jo * FIRE
            copies = [
                pltpu.async_copy(p_hbm.at[idx_v.at[j0 + t]], out_v.at[j0 + t], sem)
                for t in range(FIRE)
            ]
            for c in copies:
                c.wait()
            return carry

        lax.fori_loop(0, rows_per_worker // FIRE, step, 0, unroll=False)
        pltpu.sync_copy(out_v, res_hbm.at[pl.ds(base, rows_per_worker)])


def _sc_gather(p, idx_a, idx_b):
    n_rows = idx_a.shape[0]
    rows_per_worker = n_rows // NUM_WORKERS
    mesh = plsc.VectorSubcoreMesh(core_axis_name="c", subcore_axis_name="s")
    out_sds = jax.ShapeDtypeStruct((n_rows, CHUNK), jnp.float32)
    run = pl.kernel(
        functools.partial(_sc_gather_body, rows_per_worker),
        out_type=(out_sds, out_sds),
        mesh=mesh,
        scratch_types=[
            pltpu.VMEM((rows_per_worker, CHUNK), jnp.int32),
            pltpu.VMEM((rows_per_worker, CHUNK), jnp.float32),
            pltpu.SemaphoreType.DMA,
        ],
    )
    return run(p, idx_a, idx_b)


def kernel(inputs, outputs, table, W, b):
    B, L = inputs.shape
    table2 = table.reshape(NROWS, FOLD * EMBED_DIM)
    w2 = jnp.zeros((FOLD, FOLD * EMBED_DIM), W.dtype)
    for r in range(FOLD):
        w2 = w2.at[r, r * EMBED_DIM:(r + 1) * EMBED_DIM].set(W[0])
    p = _project_table(table2, w2, b).reshape(-1)
    idx_a = ((inputs & (FOLD - 1)) * P_STRIDE + (inputs // FOLD)).reshape(-1, CHUNK)
    idx_b = ((outputs & (FOLD - 1)) * P_STRIDE + (outputs // FOLD)).reshape(-1, CHUNK)
    res_a, res_b = _sc_gather(p, idx_a, idx_b)
    return (res_a.reshape(B, L, 1), res_b.reshape(B, L, 1))

# --- scband reference (transcript-rebuilt; emitter-appended) ---
"""Pipeline reference for scband-cbow-42691974922808 (READ-ONLY COPY).

The authoritative reference and input builder live on the scoring server;
editing this copy changes nothing except your own understanding.
"""

import jax, jax.numpy as jnp
import numpy as np

VOCAB = 1000000
EMBED_DIM = 64
B = 16384
L = 50

def setup_inputs(seed: int = 0) -> dict:
    key = jax.random.key(seed)
    k1, k2, k3, k4, k5 = jax.random.split(key, 5)
    inputs = jax.random.randint(k1, (B, L), 0, VOCAB, dtype=jnp.int64 if jax.config.jax_enable_x64 else jnp.int32)
    outputs = jax.random.randint(k2, (B, L), 0, VOCAB, dtype=jnp.int64 if jax.config.jax_enable_x64 else jnp.int32)
    table = jax.random.normal(k3, (VOCAB, EMBED_DIM), dtype=jnp.float32)
    lim = 1.0 / np.sqrt(EMBED_DIM)
    W = jax.random.uniform(k4, (1, EMBED_DIM), dtype=jnp.float32, minval=-lim, maxval=lim)
    b = jax.random.uniform(k5, (1,), dtype=jnp.float32, minval=-lim, maxval=lim)
    return {"inputs": inputs, "outputs": outputs, "table": table, "W": W, "b": b}

def reference(inputs, outputs, table, W, b):
    # model = Sequential(Embedding, Linear(embed_dim -> 1))
    input_emb = jnp.take(table, inputs, axis=0)   # [B, L, D]
    output_emb = jnp.take(table, outputs, axis=0) # [B, L, D]
    input_embeddings = input_emb @ W.T + b        # [B, L, 1]
    output_embeddings = output_emb @ W.T + b      # [B, L, 1]
    return (input_embeddings, output_embeddings)

if __name__ == "__main__":
    import jax
    _d = setup_inputs()
    print(jax.jit(kernel)(*tuple(_d.values())))

</pallas_src>

<mosaic_0001>
#map = affine_map<(d0, d1) -> (0)>
#map1 = affine_map<(d0, d1) -> (0, 0)>
module attributes {stable_mosaic.version = 14 : i64} {
  func.func @_sc_gather_body(%arg0: i32, %arg1: i32, %arg2: memref<1048576xf32, #tpu.memory_space<hbm>>, %arg3: memref<6400x128xi32, #tpu.memory_space<hbm>>, %arg4: memref<6400x128xi32, #tpu.memory_space<hbm>>, %arg5: memref<6400x128xf32, #tpu.memory_space<hbm>>, %arg6: memref<6400x128xf32, #tpu.memory_space<hbm>>, %arg7: memref<200x128xi32, #tpu.memory_space<vmem>>, %arg8: memref<200x128xf32, #tpu.memory_space<vmem>>, %arg9: memref<!tpu.dma_semaphore, #tpu.memory_space<semaphore_mem>>) attributes {dimension_semantics = [#tpu.dimension_semantics<core_parallel>, #tpu.dimension_semantics<subcore_parallel>], iteration_bounds = array<i64: 2, 16>, scalar_prefetch = 0 : i64, scratch_operands = 3 : i64, tpu.core_type = #tpu.core_type<sc_vector_subcore>, window_params = [{transform_indices = #map}, {transform_indices = #map1}, {transform_indices = #map1}, {transform_indices = #map1}, {transform_indices = #map1}]} {
    %mul3A = arith.constant 2 : i32
    %mul3A_0 = arith.muli %arg1, %mul3A : i32
    %add3A = arith.addi %mul3A_0, %arg0 : i32
    %mul3A_1 = arith.constant 200 : i32
    %mul3A_2 = arith.muli %add3A, %mul3A_1 : i32
    "tpu.region"() ({
      %run_scoped3A = tpu.sem_alloc : memref<!tpu.dma_semaphore, #tpu.memory_space<semaphore_mem>>
      %dma_start3A = arith.constant 0 : i32
      %dma_start3A_14 = tpu.memref_slice %arg3[%mul3A_2, %dma_start3A] : memref<6400x128xi32, #tpu.memory_space<hbm>> -> memref<200x128xi32, #tpu.memory_space<hbm>>
      %dma_start3A_15 = arith.constant 0 : i32
      %dma_start3A_16 = tpu.memref_slice %arg3[%mul3A_2, %dma_start3A_15] : memref<6400x128xi32, #tpu.memory_space<hbm>> -> memref<200x128xi32, #tpu.memory_space<hbm>>
      tpu.enqueue_dma source(%dma_start3A_16 : memref<200x128xi32, #tpu.memory_space<hbm>>) target(%arg7 : memref<200x128xi32, #tpu.memory_space<vmem>>) target_semaphore(%run_scoped3A : memref<!tpu.dma_semaphore, #tpu.memory_space<semaphore_mem>>)
      %dma_wait3A = arith.constant 0 : i32
      %dma_wait3A_17 = tpu.memref_slice %arg3[%mul3A_2, %dma_wait3A] : memref<6400x128xi32, #tpu.memory_space<hbm>> -> memref<200x128xi32, #tpu.memory_space<hbm>>
      %dma_wait3A_18 = arith.constant 0 : i32
      %dma_wait3A_19 = tpu.memref_slice %arg3[%mul3A_2, %dma_wait3A_18] : memref<6400x128xi32, #tpu.memory_space<hbm>> -> memref<200x128xi32, #tpu.memory_space<hbm>>
      tpu.wait_dma2 semaphore(%run_scoped3A : memref<!tpu.dma_semaphore, #tpu.memory_space<semaphore_mem>>) src(%dma_wait3A_19 : memref<200x128xi32, #tpu.memory_space<hbm>>) dst(%arg7 : memref<200x128xi32, #tpu.memory_space<vmem>>)
      tpu.yield
    }) : () -> ()
    %scan3A = arith.constant 0 : i32
    %scan3A_3 = arith.constant 0 : i32
    %scan3A_4 = arith.constant 25 : i32
    %scan3A_5 = arith.addi %scan3A_3, %scan3A_4 : i32
    %scan3A_6 = arith.constant 1 : i32
    scf.for %scan3A_14 = %scan3A_3 to %scan3A_5 step %scan3A_6  : i32 {
      %mul3A_15 = arith.constant 8 : i32
      %mul3A_16 = arith.muli %scan3A_14, %mul3A_15 : i32
      %add3A_17 = arith.constant 0 : i32
      %add3A_18 = arith.addi %mul3A_16, %add3A_17 : i32
      %add3A_19 = arith.constant 0 : i32
      %add3A_20 = arith.addi %mul3A_16, %add3A_19 : i32
      %dma_start3A = arith.constant 0 : i32
      %dma_start3A_21 = tpu.memref_slice %arg8[%add3A_20, %dma_start3A] : memref<200x128xf32, #tpu.memory_space<vmem>> -> memref<1x128xf32, #tpu.memory_space<vmem>>
      %dma_start3A_22 = tpu.memref_squeeze %dma_start3A_21 : memref<1x128xf32, #tpu.memory_space<vmem>> -> memref<128xf32, #tpu.memory_space<vmem>>
      %dma_start3A_23 = arith.constant 0 : i32
      %dma_start3A_24 = tpu.memref_slice %arg7[%add3A_18, %dma_start3A_23] : memref<200x128xi32, #tpu.memory_space<vmem>> -> memref<1x128xi32, #tpu.memory_space<vmem>>
      %dma_start3A_25 = tpu.memref_squeeze %dma_start3A_24 : memref<1x128xi32, #tpu.memory_space<vmem>> -> memref<128xi32, #tpu.memory_space<vmem>>
      %dma_start3A_26 = arith.constant 0 : i32
      %dma_start3A_27 = tpu.memref_slice %arg2[%dma_start3A_26] : memref<1048576xf32, #tpu.memory_space<hbm>> -> memref<1048576xf32, #tpu.memory_space<hbm>>
      tpu.enqueue_indirect_dma source(%dma_start3A_27 : memref<1048576xf32, #tpu.memory_space<hbm>>) target(%dma_start3A_22 : memref<128xf32, #tpu.memory_space<vmem>>) offsets(%dma_start3A_25 : memref<128xi32, #tpu.memory_space<vmem>>) semaphore(%arg9 : memref<!tpu.dma_semaphore, #tpu.memory_space<semaphore_mem>>)
      %add3A_28 = arith.constant 1 : i32
      %add3A_29 = arith.addi %mul3A_16, %add3A_28 : i32
      %add3A_30 = arith.constant 1 : i32
      %add3A_31 = arith.addi %mul3A_16, %add3A_30 : i32
      %dma_start3A_32 = arith.constant 0 : i32
      %dma_start3A_33 = tpu.memref_slice %arg8[%add3A_31, %dma_start3A_32] : memref<200x128xf32, #tpu.memory_space<vmem>> -> memref<1x128xf32, #tpu.memory_space<vmem>>
      %dma_start3A_34 = tpu.memref_squeeze %dma_start3A_33 : memref<1x128xf32, #tpu.memory_space<vmem>> -> memref<128xf32, #tpu.memory_space<vmem>>
      %dma_start3A_35 = arith.constant 0 : i32
      %dma_start3A_36 = tpu.memref_slice %arg7[%add3A_29, %dma_start3A_35] : memref<200x128xi32, #tpu.memory_space<vmem>> -> memref<1x128xi32, #tpu.memory_space<vmem>>
      %dma_start3A_37 = tpu.memref_squeeze %dma_start3A_36 : memref<1x128xi32, #tpu.memory_space<vmem>> -> memref<128xi32, #tpu.memory_space<vmem>>
      %dma_start3A_38 = arith.constant 0 : i32
      %dma_start3A_39 = tpu.memref_slice %arg2[%dma_start3A_38] : memref<1048576xf32, #tpu.memory_space<hbm>> -> memref<1048576xf32, #tpu.memory_space<hbm>>
      tpu.enqueue_indirect_dma source(%dma_start3A_39 : memref<1048576xf32, #tpu.memory_space<hbm>>) target(%dma_start3A_34 : memref<128xf32, #tpu.memory_space<vmem>>) offsets(%dma_start3A_37 : memref<128xi32, #tpu.memory_space<vmem>>) semaphore(%arg9 : memref<!tpu.dma_semaphore, #tpu.memory_space<semaphore_mem>>)
      %add3A_40 = arith.constant 2 : i32
      %add3A_41 = arith.addi %mul3A_16, %add3A_40 : i32
      %add3A_42 = arith.constant 2 : i32
      %add3A_43 = arith.addi %mul3A_16, %add3A_42 : i32
      %dma_start3A_44 = arith.constant 0 : i32
      %dma_start3A_45 = tpu.memref_slice %arg8[%add3A_43, %dma_start3A_44] : memref<200x128xf32, #tpu.memory_space<vmem>> -> memref<1x128xf32, #tpu.memory_space<vmem>>
      %dma_start3A_46 = tpu.memref_squeeze %dma_start3A_45 : memref<1x128xf32, #tpu.memory_space<vmem>> -> memref<128xf32, #tpu.memory_space<vmem>>
      %dma_start3A_47 = arith.constant 0 : i32
      %dma_start3A_48 = tpu.memref_slice %arg7[%add3A_41, %dma_start3A_47] : memref<200x128xi32, #tpu.memory_space<vmem>> -> memref<1x128xi32, #tpu.memory_space<vmem>>
      %dma_start3A_49 = tpu.memref_squeeze %dma_start3A_48 : memref<1x128xi32, #tpu.memory_space<vmem>> -> memref<128xi32, #tpu.memory_space<vmem>>
      %dma_start3A_50 = arith.constant 0 : i32
      %dma_start3A_51 = tpu.memref_slice %arg2[%dma_start3A_50] : memref<1048576xf32, #tpu.memory_space<hbm>> -> memref<1048576xf32, #tpu.memory_space<hbm>>
      tpu.enqueue_indirect_dma source(%dma_start3A_51 : memref<1048576xf32, #tpu.memory_space<hbm>>) target(%dma_start3A_46 : memref<128xf32, #tpu.memory_space<vmem>>) offsets(%dma_start3A_49 : memref<128xi32, #tpu.memory_space<vmem>>) semaphore(%arg9 : memref<!tpu.dma_semaphore, #tpu.memory_space<semaphore_mem>>)
      %add3A_52 = arith.constant 3 : i32
      %add3A_53 = arith.addi %mul3A_16, %add3A_52 : i32
      %add3A_54 = arith.constant 3 : i32
      %add3A_55 = arith.addi %mul3A_16, %add3A_54 : i32
      %dma_start3A_56 = arith.constant 0 : i32
      %dma_start3A_57 = tpu.memref_slice %arg8[%add3A_55, %dma_start3A_56] : memref<200x128xf32, #tpu.memory_space<vmem>> -> memref<1x128xf32, #tpu.memory_space<vmem>>
      %dma_start3A_58 = tpu.memref_squeeze %dma_start3A_57 : memref<1x128xf32, #tpu.memory_space<vmem>> -> memref<128xf32, #tpu.memory_space<vmem>>
      %dma_start3A_59 = arith.constant 0 : i32
      %dma_start3A_60 = tpu.memref_slice %arg7[%add3A_53, %dma_start3A_59] : memref<200x128xi32, #tpu.memory_space<vmem>> -> memref<1x128xi32, #tpu.memory_space<vmem>>
      %dma_start3A_61 = tpu.memref_squeeze %dma_start3A_60 : memref<1x128xi32, #tpu.memory_space<vmem>> -> memref<128xi32, #tpu.memory_space<vmem>>
      %dma_start3A_62 = arith.constant 0 : i32
      %dma_start3A_63 = tpu.memref_slice %arg2[%dma_start3A_62] : memref<1048576xf32, #tpu.memory_space<hbm>> -> memref<1048576xf32, #tpu.memory_space<hbm>>
      tpu.enqueue_indirect_dma source(%dma_start3A_63 : memref<1048576xf32, #tpu.memory_space<hbm>>) target(%dma_start3A_58 : memref<128xf32, #tpu.memory_space<vmem>>) offsets(%dma_start3A_61 : memref<128xi32, #tpu.memory_space<vmem>>) semaphore(%arg9 : memref<!tpu.dma_semaphore, #tpu.memory_space<semaphore_mem>>)
      %add3A_64 = arith.constant 4 : i32
      %add3A_65 = arith.addi %mul3A_16, %add3A_64 : i32
      %add3A_66 = arith.constant 4 : i32
      %add3A_67 = arith.addi %mul3A_16, %add3A_66 : i32
      %dma_start3A_68 = arith.constant 0 : i32
      %dma_start3A_69 = tpu.memref_slice %arg8[%add3A_67, %dma_start3A_68] : memref<200x128xf32, #tpu.memory_space<vmem>> -> memref<1x128xf32, #tpu.memory_space<vmem>>
      %dma_start3A_70 = tpu.memref_squeeze %dma_start3A_69 : memref<1x128xf32, #tpu.memory_space<vmem>> -> memref<128xf32, #tpu.memory_space<vmem>>
      %dma_start3A_71 = arith.constant 0 : i32
      %dma_start3A_72 = tpu.memref_slice %arg7[%add3A_65, %dma_start3A_71] : memref<200x128xi32, #tpu.memory_space<vmem>> -> memref<1x128xi32, #tpu.memory_space<vmem>>
      %dma_start3A_73 = tpu.memref_squeeze %dma_start3A_72 : memref<1x128xi32, #tpu.memory_space<vmem>> -> memref<128xi32, #tpu.memory_space<vmem>>
      %dma_start3A_74 = arith.constant 0 : i32
      %dma_start3A_75 = tpu.memref_slice %arg2[%dma_start3A_74] : memref<1048576xf32, #tpu.memory_space<hbm>> -> memref<1048576xf32, #tpu.memory_space<hbm>>
      tpu.enqueue_indirect_dma source(%dma_start3A_75 : memref<1048576xf32, #tpu.memory_space<hbm>>) target(%dma_start3A_70 : memref<128xf32, #tpu.memory_space<vmem>>) offsets(%dma_start3A_73 : memref<128xi32, #tpu.memory_space<vmem>>) semaphore(%arg9 : memref<!tpu.dma_semaphore, #tpu.memory_space<semaphore_mem>>)
      %add3A_76 = arith.constant 5 : i32
      %add3A_77 = arith.addi %mul3A_16, %add3A_76 : i32
      %add3A_78 = arith.constant 5 : i32
      %add3A_79 = arith.addi %mul3A_16, %add3A_78 : i32
      %dma_start3A_80 = arith.constant 0 : i32
      %dma_start3A_81 = tpu.memref_slice %arg8[%add3A_79, %dma_start3A_80] : memref<200x128xf32, #tpu.memory_space<vmem>> -> memref<1x128xf32, #tpu.memory_space<vmem>>
      %dma_start3A_82 = tpu.memref_squeeze %dma_start3A_81 : memref<1x128xf32, #tpu.memory_space<vmem>> -> memref<128xf32, #tpu.memory_space<vmem>>
      %dma_start3A_83 = arith.constant 0 : i32
      %dma_start3A_84 = tpu.memref_slice %arg7[%add3A_77, %dma_start3A_83] : memref<200x128xi32, #tpu.memory_space<vmem>> -> memref<1x128xi32, #tpu.memory_space<vmem>>
      %dma_start3A_85 = tpu.memref_squeeze %dma_start3A_84 : memref<1x128xi32, #tpu.memory_space<vmem>> -> memref<128xi32, #tpu.memory_space<vmem>>
      %dma_start3A_86 = arith.constant 0 : i32
      %dma_start3A_87 = tpu.memref_slice %arg2[%dma_start3A_86] : memref<1048576xf32, #tpu.memory_space<hbm>> -> memref<1048576xf32, #tpu.memory_space<hbm>>
      tpu.enqueue_indirect_dma source(%dma_start3A_87 : memref<1048576xf32, #tpu.memory_space<hbm>>) target(%dma_start3A_82 : memref<128xf32, #tpu.memory_space<vmem>>) offsets(%dma_start3A_85 : memref<128xi32, #tpu.memory_space<vmem>>) semaphore(%arg9 : memref<!tpu.dma_semaphore, #tpu.memory_space<semaphore_mem>>)
      %add3A_88 = arith.constant 6 : i32
      %add3A_89 = arith.addi %mul3A_16, %add3A_88 : i32
      %add3A_90 = arith.constant 6 : i32
      %add3A_91 = arith.addi %mul3A_16, %add3A_90 : i32
      %dma_start3A_92 = arith.constant 0 : i32
      %dma_start3A_93 = tpu.memref_slice %arg8[%add3A_91, %dma_start3A_92] : memref<200x128xf32, #tpu.memory_space<vmem>> -> memref<1x128xf32, #tpu.memory_space<vmem>>
      %dma_start3A_94 = tpu.memref_squeeze %dma_start3A_93 : memref<1x128xf32, #tpu.memory_space<vmem>> -> memref<128xf32, #tpu.memory_space<vmem>>
      %dma_start3A_95 = arith.constant 0 : i32
      %dma_start3A_96 = tpu.memref_slice %arg7[%add3A_89, %dma_start3A_95] : memref<200x128xi32, #tpu.memory_space<vmem>> -> memref<1x128xi32, #tpu.memory_space<vmem>>
      %dma_start3A_97 = tpu.memref_squeeze %dma_start3A_96 : memref<1x128xi32, #tpu.memory_space<vmem>> -> memref<128xi32, #tpu.memory_space<vmem>>
      %dma_start3A_98 = arith.constant 0 : i32
      %dma_start3A_99 = tpu.memref_slice %arg2[%dma_start3A_98] : memref<1048576xf32, #tpu.memory_space<hbm>> -> memref<1048576xf32, #tpu.memory_space<hbm>>
      tpu.enqueue_indirect_dma source(%dma_start3A_99 : memref<1048576xf32, #tpu.memory_space<hbm>>) target(%dma_start3A_94 : memref<128xf32, #tpu.memory_space<vmem>>) offsets(%dma_start3A_97 : memref<128xi32, #tpu.memory_space<vmem>>) semaphore(%arg9 : memref<!tpu.dma_semaphore, #tpu.memory_space<semaphore_mem>>)
      %add3A_100 = arith.constant 7 : i32
      %add3A_101 = arith.addi %mul3A_16, %add3A_100 : i32
      %add3A_102 = arith.constant 7 : i32
      %add3A_103 = arith.addi %mul3A_16, %add3A_102 : i32
      %dma_start3A_104 = arith.constant 0 : i32
      %dma_start3A_105 = tpu.memref_slice %arg8[%add3A_103, %dma_start3A_104] : memref<200x128xf32, #tpu.memory_space<vmem>> -> memref<1x128xf32, #tpu.memory_space<vmem>>
      %dma_start3A_106 = tpu.memref_squeeze %dma_start3A_105 : memref<1x128xf32, #tpu.memory_space<vmem>> -> memref<128xf32, #tpu.memory_space<vmem>>
      %dma_start3A_107 = arith.constant 0 : i32
      %dma_start3A_108 = tpu.memref_slice %arg7[%add3A_101, %dma_start3A_107] : memref<200x128xi32, #tpu.memory_space<vmem>> -> memref<1x128xi32, #tpu.memory_space<vmem>>
      %dma_start3A_109 = tpu.memref_squeeze %dma_start3A_108 : memref<1x128xi32, #tpu.memory_space<vmem>> -> memref<128xi32, #tpu.memory_space<vmem>>
      %dma_start3A_110 = arith.constant 0 : i32
      %dma_start3A_111 = tpu.memref_slice %arg2[%dma_start3A_110] : memref<1048576xf32, #tpu.memory_space<hbm>> -> memref<1048576xf32, #tpu.memory_space<hbm>>
      tpu.enqueue_indirect_dma source(%dma_start3A_111 : memref<1048576xf32, #tpu.memory_space<hbm>>) target(%dma_start3A_106 : memref<128xf32, #tpu.memory_space<vmem>>) offsets(%dma_start3A_109 : memref<128xi32, #tpu.memory_space<vmem>>) semaphore(%arg9 : memref<!tpu.dma_semaphore, #tpu.memory_space<semaphore_mem>>)
      %dma_wait3A = arith.constant 0 : i32
      %dma_wait3A_112 = tpu.memref_slice %arg8[%add3A_20, %dma_wait3A] : memref<200x128xf32, #tpu.memory_space<vmem>> -> memref<1x128xf32, #tpu.memory_space<vmem>>
      %dma_wait3A_113 = tpu.memref_squeeze %dma_wait3A_112 : memref<1x128xf32, #tpu.memory_space<vmem>> -> memref<128xf32, #tpu.memory_space<vmem>>
      %dma_wait3A_114 = arith.constant 0 : i32
      %dma_wait3A_115 = tpu.memref_slice %arg7[%add3A_18, %dma_wait3A_114] : memref<200x128xi32, #tpu.memory_space<vmem>> -> memref<1x128xi32, #tpu.memory_space<vmem>>
      %dma_wait3A_116 = tpu.memref_squeeze %dma_wait3A_115 : memref<1x128xi32, #tpu.memory_space<vmem>> -> memref<128xi32, #tpu.memory_space<vmem>>
      %dma_wait3A_117 = arith.constant 0 : i32
      %dma_wait3A_118 = tpu.memref_slice %arg2[%dma_wait3A_117] : memref<1048576xf32, #tpu.memory_space<hbm>> -> memref<1048576xf32, #tpu.memory_space<hbm>>
      tpu.wait_indirect_dma semaphore(%arg9 : memref<!tpu.dma_semaphore, #tpu.memory_space<semaphore_mem>>) src(%dma_wait3A_118 : memref<1048576xf32, #tpu.memory_space<hbm>>) dst(%dma_wait3A_113 : memref<128xf32, #tpu.memory_space<vmem>>)
      %dma_wait3A_119 = arith.constant 0 : i32
      %dma_wait3A_120 = tpu.memref_slice %arg8[%add3A_31, %dma_wait3A_119] : memref<200x128xf32, #tpu.memory_space<vmem>> -> memref<1x128xf32, #tpu.memory_space<vmem>>
      %dma_wait3A_121 = tpu.memref_squeeze %dma_wait3A_120 : memref<1x128xf32, #tpu.memory_space<vmem>> -> memref<128xf32, #tpu.memory_space<vmem>>
      %dma_wait3A_122 = arith.constant 0 : i32
      %dma_wait3A_123 = tpu.memref_slice %arg7[%add3A_29, %dma_wait3A_122] : memref<200x128xi32, #tpu.memory_space<vmem>> -> memref<1x128xi32, #tpu.memory_space<vmem>>
      %dma_wait3A_124 = tpu.memref_squeeze %dma_wait3A_123 : memref<1x128xi32, #tpu.memory_space<vmem>> -> memref<128xi32, #tpu.memory_space<vmem>>
      %dma_wait3A_125 = arith.constant 0 : i32
      %dma_wait3A_126 = tpu.memref_slice %arg2[%dma_wait3A_125] : memref<1048576xf32, #tpu.memory_space<hbm>> -> memref<1048576xf32, #tpu.memory_space<hbm>>
      tpu.wait_indirect_dma semaphore(%arg9 : memref<!tpu.dma_semaphore, #tpu.memory_space<semaphore_mem>>) src(%dma_wait3A_126 : memref<1048576xf32, #tpu.memory_space<hbm>>) dst(%dma_wait3A_121 : memref<128xf32, #tpu.memory_space<vmem>>)
      %dma_wait3A_127 = arith.constant 0 : i32
      %dma_wait3A_128 = tpu.memref_slice %arg8[%add3A_43, %dma_wait3A_127] : memref<200x128xf32, #tpu.memory_space<vmem>> -> memref<1x128xf32, #tpu.memory_space<vmem>>
      %dma_wait3A_129 = tpu.memref_squeeze %dma_wait3A_128 : memref<1x128xf32, #tpu.memory_space<vmem>> -> memref<128xf32, #tpu.memory_space<vmem>>
      %dma_wait3A_130 = arith.constant 0 : i32
      %dma_wait3A_131 = tpu.memref_slice %arg7[%add3A_41, %dma_wait3A_130] : memref<200x128xi32, #tpu.memory_space<vmem>> -> memref<1x128xi32, #tpu.memory_space<vmem>>
      %dma_wait3A_132 = tpu.memref_squeeze %dma_wait3A_131 : memref<1x128xi32, #tpu.memory_space<vmem>> -> memref<128xi32, #tpu.memory_space<vmem>>
      %dma_wait3A_133 = arith.constant 0 : i32
      %dma_wait3A_134 = tpu.memref_slice %arg2[%dma_wait3A_133] : memref<1048576xf32, #tpu.memory_space<hbm>> -> memref<1048576xf32, #tpu.memory_space<hbm>>
      tpu.wait_indirect_dma semaphore(%arg9 : memref<!tpu.dma_semaphore, #tpu.memory_space<semaphore_mem>>) src(%dma_wait3A_134 : memref<1048576xf32, #tpu.memory_space<hbm>>) dst(%dma_wait3A_129 : memref<128xf32, #tpu.memory_space<vmem>>)
      %dma_wait3A_135 = arith.constant 0 : i32
      %dma_wait3A_136 = tpu.memref_slice %arg8[%add3A_55, %dma_wait3A_135] : memref<200x128xf32, #tpu.memory_space<vmem>> -> memref<1x128xf32, #tpu.memory_space<vmem>>
      %dma_wait3A_137 = tpu.memref_squeeze %dma_wait3A_136 : memref<1x128xf32, #tpu.memory_space<vmem>> -> memref<128xf32, #tpu.memory_space<vmem>>
      %dma_wait3A_138 = arith.constant 0 : i32
      %dma_wait3A_139 = tpu.memref_slice %arg7[%add3A_53, %dma_wait3A_138] : memref<200x128xi32, #tpu.memory_space<vmem>> -> memref<1x128xi32, #tpu.memory_space<vmem>>
      %dma_wait3A_140 = tpu.memref_squeeze %dma_wait3A_139 : memref<1x128xi32, #tpu.memory_space<vmem>> -> memref<128xi32, #tpu.memory_space<vmem>>
      %dma_wait3A_141 = arith.constant 0 : i32
      %dma_wait3A_142 = tpu.memref_slice %arg2[%dma_wait3A_141] : memref<1048576xf32, #tpu.memory_space<hbm>> -> memref<1048576xf32, #tpu.memory_space<hbm>>
      tpu.wait_indirect_dma semaphore(%arg9 : memref<!tpu.dma_semaphore, #tpu.memory_space<semaphore_mem>>) src(%dma_wait3A_142 : memref<1048576xf32, #tpu.memory_space<hbm>>) dst(%dma_wait3A_137 : memref<128xf32, #tpu.memory_space<vmem>>)
      %dma_wait3A_143 = arith.constant 0 : i32
      %dma_wait3A_144 = tpu.memref_slice %arg8[%add3A_67, %dma_wait3A_143] : memref<200x128xf32, #tpu.memory_space<vmem>> -> memref<1x128xf32, #tpu.memory_space<vmem>>
      %dma_wait3A_145 = tpu.memref_squeeze %dma_wait3A_144 : memref<1x128xf32, #tpu.memory_space<vmem>> -> memref<128xf32, #tpu.memory_space<vmem>>
      %dma_wait3A_146 = arith.constant 0 : i32
      %dma_wait3A_147 = tpu.memref_slice %arg7[%add3A_65, %dma_wait3A_146] : memref<200x128xi32, #tpu.memory_space<vmem>> -> memref<1x128xi32, #tpu.memory_space<vmem>>
      %dma_wait3A_148 = tpu.memref_squeeze %dma_wait3A_147 : memref<1x128xi32, #tpu.memory_space<vmem>> -> memref<128xi32, #tpu.memory_space<vmem>>
      %dma_wait3A_149 = arith.constant 0 : i32
      %dma_wait3A_150 = tpu.memref_slice %arg2[%dma_wait3A_149] : memref<1048576xf32, #tpu.memory_space<hbm>> -> memref<1048576xf32, #tpu.memory_space<hbm>>
      tpu.wait_indirect_dma semaphore(%arg9 : memref<!tpu.dma_semaphore, #tpu.memory_space<semaphore_mem>>) src(%dma_wait3A_150 : memref<1048576xf32, #tpu.memory_space<hbm>>) dst(%dma_wait3A_145 : memref<128xf32, #tpu.memory_space<vmem>>)
      %dma_wait3A_151 = arith.constant 0 : i32
      %dma_wait3A_152 = tpu.memref_slice %arg8[%add3A_79, %dma_wait3A_151] : memref<200x128xf32, #tpu.memory_space<vmem>> -> memref<1x128xf32, #tpu.memory_space<vmem>>
      %dma_wait3A_153 = tpu.memref_squeeze %dma_wait3A_152 : memref<1x128xf32, #tpu.memory_space<vmem>> -> memref<128xf32, #tpu.memory_space<vmem>>
      %dma_wait3A_154 = arith.constant 0 : i32
      %dma_wait3A_155 = tpu.memref_slice %arg7[%add3A_77, %dma_wait3A_154] : memref<200x128xi32, #tpu.memory_space<vmem>> -> memref<1x128xi32, #tpu.memory_space<vmem>>
      %dma_wait3A_156 = tpu.memref_squeeze %dma_wait3A_155 : memref<1x128xi32, #tpu.memory_space<vmem>> -> memref<128xi32, #tpu.memory_space<vmem>>
      %dma_wait3A_157 = arith.constant 0 : i32
      %dma_wait3A_158 = tpu.memref_slice %arg2[%dma_wait3A_157] : memref<1048576xf32, #tpu.memory_space<hbm>> -> memref<1048576xf32, #tpu.memory_space<hbm>>
      tpu.wait_indirect_dma semaphore(%arg9 : memref<!tpu.dma_semaphore, #tpu.memory_space<semaphore_mem>>) src(%dma_wait3A_158 : memref<1048576xf32, #tpu.memory_space<hbm>>) dst(%dma_wait3A_153 : memref<128xf32, #tpu.memory_space<vmem>>)
      %dma_wait3A_159 = arith.constant 0 : i32
      %dma_wait3A_160 = tpu.memref_slice %arg8[%add3A_91, %dma_wait3A_159] : memref<200x128xf32, #tpu.memory_space<vmem>> -> memref<1x128xf32, #tpu.memory_space<vmem>>
      %dma_wait3A_161 = tpu.memref_squeeze %dma_wait3A_160 : memref<1x128xf32, #tpu.memory_space<vmem>> -> memref<128xf32, #tpu.memory_space<vmem>>
      %dma_wait3A_162 = arith.constant 0 : i32
      %dma_wait3A_163 = tpu.memref_slice %arg7[%add3A_89, %dma_wait3A_162] : memref<200x128xi32, #tpu.memory_space<vmem>> -> memref<1x128xi32, #tpu.memory_space<vmem>>
      %dma_wait3A_164 = tpu.memref_squeeze %dma_wait3A_163 : memref<1x128xi32, #tpu.memory_space<vmem>> -> memref<128xi32, #tpu.memory_space<vmem>>
      %dma_wait3A_165 = arith.constant 0 : i32
      %dma_wait3A_166 = tpu.memref_slice %arg2[%dma_wait3A_165] : memref<1048576xf32, #tpu.memory_space<hbm>> -> memref<1048576xf32, #tpu.memory_space<hbm>>
      tpu.wait_indirect_dma semaphore(%arg9 : memref<!tpu.dma_semaphore, #tpu.memory_space<semaphore_mem>>) src(%dma_wait3A_166 : memref<1048576xf32, #tpu.memory_space<hbm>>) dst(%dma_wait3A_161 : memref<128xf32, #tpu.memory_space<vmem>>)
      %dma_wait3A_167 = arith.constant 0 : i32
      %dma_wait3A_168 = tpu.memref_slice %arg8[%add3A_103, %dma_wait3A_167] : memref<200x128xf32, #tpu.memory_space<vmem>> -> memref<1x128xf32, #tpu.memory_space<vmem>>
      %dma_wait3A_169 = tpu.memref_squeeze %dma_wait3A_168 : memref<1x128xf32, #tpu.memory_space<vmem>> -> memref<128xf32, #tpu.memory_space<vmem>>
      %dma_wait3A_170 = arith.constant 0 : i32
      %dma_wait3A_171 = tpu.memref_slice %arg7[%add3A_101, %dma_wait3A_170] : memref<200x128xi32, #tpu.memory_space<vmem>> -> memref<1x128xi32, #tpu.memory_space<vmem>>
      %dma_wait3A_172 = tpu.memref_squeeze %dma_wait3A_171 : memref<1x128xi32, #tpu.memory_space<vmem>> -> memref<128xi32, #tpu.memory_space<vmem>>
      %dma_wait3A_173 = arith.constant 0 : i32
      %dma_wait3A_174 = tpu.memref_slice %arg2[%dma_wait3A_173] : memref<1048576xf32, #tpu.memory_space<hbm>> -> memref<1048576xf32, #tpu.memory_space<hbm>>
      tpu.wait_indirect_dma semaphore(%arg9 : memref<!tpu.dma_semaphore, #tpu.memory_space<semaphore_mem>>) src(%dma_wait3A_174 : memref<1048576xf32, #tpu.memory_space<hbm>>) dst(%dma_wait3A_169 : memref<128xf32, #tpu.memory_space<vmem>>)
    }
    %scan3A_7 = arith.constant 25 : i32
    "tpu.region"() ({
      %run_scoped3A = tpu.sem_alloc : memref<!tpu.dma_semaphore, #tpu.memory_space<semaphore_mem>>
      %dma_start3A = arith.constant 0 : i32
      %dma_start3A_14 = tpu.memref_slice %arg5[%mul3A_2, %dma_start3A] : memref<6400x128xf32, #tpu.memory_space<hbm>> -> memref<200x128xf32, #tpu.memory_space<hbm>>
      %dma_start3A_15 = arith.constant 0 : i32
      %dma_start3A_16 = tpu.memref_slice %arg5[%mul3A_2, %dma_start3A_15] : memref<6400x128xf32, #tpu.memory_space<hbm>> -> memref<200x128xf32, #tpu.memory_space<hbm>>
      tpu.enqueue_dma source(%arg8 : memref<200x128xf32, #tpu.memory_space<vmem>>) target(%dma_start3A_16 : memref<200x128xf32, #tpu.memory_space<hbm>>) target_semaphore(%run_scoped3A : memref<!tpu.dma_semaphore, #tpu.memory_space<semaphore_mem>>)
      %dma_wait3A = arith.constant 0 : i32
      %dma_wait3A_17 = tpu.memref_slice %arg5[%mul3A_2, %dma_wait3A] : memref<6400x128xf32, #tpu.memory_space<hbm>> -> memref<200x128xf32, #tpu.memory_space<hbm>>
      %dma_wait3A_18 = arith.constant 0 : i32
      %dma_wait3A_19 = tpu.memref_slice %arg5[%mul3A_2, %dma_wait3A_18] : memref<6400x128xf32, #tpu.memory_space<hbm>> -> memref<200x128xf32, #tpu.memory_space<hbm>>
      tpu.wait_dma2 semaphore(%run_scoped3A : memref<!tpu.dma_semaphore, #tpu.memory_space<semaphore_mem>>) src(%arg8 : memref<200x128xf32, #tpu.memory_space<vmem>>) dst(%dma_wait3A_19 : memref<200x128xf32, #tpu.memory_space<hbm>>)
      tpu.yield
    }) : () -> ()
    "tpu.region"() ({
      %run_scoped3A = tpu.sem_alloc : memref<!tpu.dma_semaphore, #tpu.memory_space<semaphore_mem>>
      %dma_start3A = arith.constant 0 : i32
      %dma_start3A_14 = tpu.memref_slice %arg4[%mul3A_2, %dma_start3A] : memref<6400x128xi32, #tpu.memory_space<hbm>> -> memref<200x128xi32, #tpu.memory_space<hbm>>
      %dma_start3A_15 = arith.constant 0 : i32
      %dma_start3A_16 = tpu.memref_slice %arg4[%mul3A_2, %dma_start3A_15] : memref<6400x128xi32, #tpu.memory_space<hbm>> -> memref<200x128xi32, #tpu.memory_space<hbm>>
      tpu.enqueue_dma source(%dma_start3A_16 : memref<200x128xi32, #tpu.memory_space<hbm>>) target(%arg7 : memref<200x128xi32, #tpu.memory_space<vmem>>) target_semaphore(%run_scoped3A : memref<!tpu.dma_semaphore, #tpu.memory_space<semaphore_mem>>)
      %dma_wait3A = arith.constant 0 : i32
      %dma_wait3A_17 = tpu.memref_slice %arg4[%mul3A_2, %dma_wait3A] : memref<6400x128xi32, #tpu.memory_space<hbm>> -> memref<200x128xi32, #tpu.memory_space<hbm>>
      %dma_wait3A_18 = arith.constant 0 : i32
      %dma_wait3A_19 = tpu.memref_slice %arg4[%mul3A_2, %dma_wait3A_18] : memref<6400x128xi32, #tpu.memory_space<hbm>> -> memref<200x128xi32, #tpu.memory_space<hbm>>
      tpu.wait_dma2 semaphore(%run_scoped3A : memref<!tpu.dma_semaphore, #tpu.memory_space<semaphore_mem>>) src(%dma_wait3A_19 : memref<200x128xi32, #tpu.memory_space<hbm>>) dst(%arg7 : memref<200x128xi32, #tpu.memory_space<vmem>>)
      tpu.yield
    }) : () -> ()
    %scan3A_8 = arith.constant 0 : i32
    %scan3A_9 = arith.constant 0 : i32
    %scan3A_10 = arith.constant 25 : i32
    %scan3A_11 = arith.addi %scan3A_9, %scan3A_10 : i32
    %scan3A_12 = arith.constant 1 : i32
    scf.for %scan3A_14 = %scan3A_9 to %scan3A_11 step %scan3A_12  : i32 {
      %mul3A_15 = arith.constant 8 : i32
      %mul3A_16 = arith.muli %scan3A_14, %mul3A_15 : i32
      %add3A_17 = arith.constant 0 : i32
      %add3A_18 = arith.addi %mul3A_16, %add3A_17 : i32
      %add3A_19 = arith.constant 0 : i32
      %add3A_20 = arith.addi %mul3A_16, %add3A_19 : i32
      %dma_start3A = arith.constant 0 : i32
      %dma_start3A_21 = tpu.memref_slice %arg8[%add3A_20, %dma_start3A] : memref<200x128xf32, #tpu.memory_space<vmem>> -> memref<1x128xf32, #tpu.memory_space<vmem>>
      %dma_start3A_22 = tpu.memref_squeeze %dma_start3A_21 : memref<1x128xf32, #tpu.memory_space<vmem>> -> memref<128xf32, #tpu.memory_space<vmem>>
      %dma_start3A_23 = arith.constant 0 : i32
      %dma_start3A_24 = tpu.memref_slice %arg7[%add3A_18, %dma_start3A_23] : memref<200x128xi32, #tpu.memory_space<vmem>> -> memref<1x128xi32, #tpu.memory_space<vmem>>
      %dma_start3A_25 = tpu.memref_squeeze %dma_start3A_24 : memref<1x128xi32, #tpu.memory_space<vmem>> -> memref<128xi32, #tpu.memory_space<vmem>>
      %dma_start3A_26 = arith.constant 0 : i32
      %dma_start3A_27 = tpu.memref_slice %arg2[%dma_start3A_26] : memref<1048576xf32, #tpu.memory_space<hbm>> -> memref<1048576xf32, #tpu.memory_space<hbm>>
      tpu.enqueue_indirect_dma source(%dma_start3A_27 : memref<1048576xf32, #tpu.memory_space<hbm>>) target(%dma_start3A_22 : memref<128xf32, #tpu.memory_space<vmem>>) offsets(%dma_start3A_25 : memref<128xi32, #tpu.memory_space<vmem>>) semaphore(%arg9 : memref<!tpu.dma_semaphore, #tpu.memory_space<semaphore_mem>>)
      %add3A_28 = arith.constant 1 : i32
      %add3A_29 = arith.addi %mul3A_16, %add3A_28 : i32
      %add3A_30 = arith.constant 1 : i32
      %add3A_31 = arith.addi %mul3A_16, %add3A_30 : i32
      %dma_start3A_32 = arith.constant 0 : i32
      %dma_start3A_33 = tpu.memref_slice %arg8[%add3A_31, %dma_start3A_32] : memref<200x128xf32, #tpu.memory_space<vmem>> -> memref<1x128xf32, #tpu.memory_space<vmem>>
      %dma_start3A_34 = tpu.memref_squeeze %dma_start3A_33 : memref<1x128xf32, #tpu.memory_space<vmem>> -> memref<128xf32, #tpu.memory_space<vmem>>
      %dma_start3A_35 = arith.constant 0 : i32
      %dma_start3A_36 = tpu.memref_slice %arg7[%add3A_29, %dma_start3A_35] : memref<200x128xi32, #tpu.memory_space<vmem>> -> memref<1x128xi32, #tpu.memory_space<vmem>>
      %dma_start3A_37 = tpu.memref_squeeze %dma_start3A_36 : memref<1x128xi32, #tpu.memory_space<vmem>> -> memref<128xi32, #tpu.memory_space<vmem>>
      %dma_start3A_38 = arith.constant 0 : i32
      %dma_start3A_39 = tpu.memref_slice %arg2[%dma_start3A_38] : memref<1048576xf32, #tpu.memory_space<hbm>> -> memref<1048576xf32, #tpu.memory_space<hbm>>
      tpu.enqueue_indirect_dma source(%dma_start3A_39 : memref<1048576xf32, #tpu.memory_space<hbm>>) target(%dma_start3A_34 : memref<128xf32, #tpu.memory_space<vmem>>) offsets(%dma_start3A_37 : memref<128xi32, #tpu.memory_space<vmem>>) semaphore(%arg9 : memref<!tpu.dma_semaphore, #tpu.memory_space<semaphore_mem>>)
      %add3A_40 = arith.constant 2 : i32
      %add3A_41 = arith.addi %mul3A_16, %add3A_40 : i32
      %add3A_42 = arith.constant 2 : i32
      %add3A_43 = arith.addi %mul3A_16, %add3A_42 : i32
      %dma_start3A_44 = arith.constant 0 : i32
      %dma_start3A_45 = tpu.memref_slice %arg8[%add3A_43, %dma_start3A_44] : memref<200x128xf32, #tpu.memory_space<vmem>> -> memref<1x128xf32, #tpu.memory_space<vmem>>
      %dma_start3A_46 = tpu.memref_squeeze %dma_start3A_45 : memref<1x128xf32, #tpu.memory_space<vmem>> -> memref<128xf32, #tpu.memory_space<vmem>>
      %dma_start3A_47 = arith.constant 0 : i32
      %dma_start3A_48 = tpu.memref_slice %arg7[%add3A_41, %dma_start3A_47] : memref<200x128xi32, #tpu.memory_space<vmem>> -> memref<1x128xi32, #tpu.memory_space<vmem>>
      %dma_start3A_49 = tpu.memref_squeeze %dma_start3A_48 : memref<1x128xi32, #tpu.memory_space<vmem>> -> memref<128xi32, #tpu.memory_space<vmem>>
      %dma_start3A_50 = arith.constant 0 : i32
      %dma_start3A_51 = tpu.memref_slice %arg2[%dma_start3A_50] : memref<1048576xf32, #tpu.memory_space<hbm>> -> memref<1048576xf32, #tpu.memory_space<hbm>>
      tpu.enqueue_indirect_dma source(%dma_start3A_51 : memref<1048576xf32, #tpu.memory_space<hbm>>) target(%dma_start3A_46 : memref<128xf32, #tpu.memory_space<vmem>>) offsets(%dma_start3A_49 : memref<128xi32, #tpu.memory_space<vmem>>) semaphore(%arg9 : memref<!tpu.dma_semaphore, #tpu.memory_space<semaphore_mem>>)
      %add3A_52 = arith.constant 3 : i32
      %add3A_53 = arith.addi %mul3A_16, %add3A_52 : i32
      %add3A_54 = arith.constant 3 : i32
      %add3A_55 = arith.addi %mul3A_16, %add3A_54 : i32
      %dma_start3A_56 = arith.constant 0 : i32
      %dma_start3A_57 = tpu.memref_slice %arg8[%add3A_55, %dma_start3A_56] : memref<200x128xf32, #tpu.memory_space<vmem>> -> memref<1x128xf32, #tpu.memory_space<vmem>>
      %dma_start3A_58 = tpu.memref_squeeze %dma_start3A_57 : memref<1x128xf32, #tpu.memory_space<vmem>> -> memref<128xf32, #tpu.memory_space<vmem>>
      %dma_start3A_59 = arith.constant 0 : i32
      %dma_start3A_60 = tpu.memref_slice %arg7[%add3A_53, %dma_start3A_59] : memref<200x128xi32, #tpu.memory_space<vmem>> -> memref<1x128xi32, #tpu.memory_space<vmem>>
      %dma_start3A_61 = tpu.memref_squeeze %dma_start3A_60 : memref<1x128xi32, #tpu.memory_space<vmem>> -> memref<128xi32, #tpu.memory_space<vmem>>
      %dma_start3A_62 = arith.constant 0 : i32
      %dma_start3A_63 = tpu.memref_slice %arg2[%dma_start3A_62] : memref<1048576xf32, #tpu.memory_space<hbm>> -> memref<1048576xf32, #tpu.memory_space<hbm>>
      tpu.enqueue_indirect_dma source(%dma_start3A_63 : memref<1048576xf32, #tpu.memory_space<hbm>>) target(%dma_start3A_58 : memref<128xf32, #tpu.memory_space<vmem>>) offsets(%dma_start3A_61 : memref<128xi32, #tpu.memory_space<vmem>>) semaphore(%arg9 : memref<!tpu.dma_semaphore, #tpu.memory_space<semaphore_mem>>)
      %add3A_64 = arith.constant 4 : i32
      %add3A_65 = arith.addi %mul3A_16, %add3A_64 : i32
      %add3A_66 = arith.constant 4 : i32
      %add3A_67 = arith.addi %mul3A_16, %add3A_66 : i32
      %dma_start3A_68 = arith.constant 0 : i32
      %dma_start3A_69 = tpu.memref_slice %arg8[%add3A_67, %dma_start3A_68] : memref<200x128xf32, #tpu.memory_space<vmem>> -> memref<1x128xf32, #tpu.memory_space<vmem>>
      %dma_start3A_70 = tpu.memref_squeeze %dma_start3A_69 : memref<1x128xf32, #tpu.memory_space<vmem>> -> memref<128xf32, #tpu.memory_space<vmem>>
      %dma_start3A_71 = arith.constant 0 : i32
      %dma_start3A_72 = tpu.memref_slice %arg7[%add3A_65, %dma_start3A_71] : memref<200x128xi32, #tpu.memory_space<vmem>> -> memref<1x128xi32, #tpu.memory_space<vmem>>
      %dma_start3A_73 = tpu.memref_squeeze %dma_start3A_72 : memref<1x128xi32, #tpu.memory_space<vmem>> -> memref<128xi32, #tpu.memory_space<vmem>>
      %dma_start3A_74 = arith.constant 0 : i32
      %dma_start3A_75 = tpu.memref_slice %arg2[%dma_start3A_74] : memref<1048576xf32, #tpu.memory_space<hbm>> -> memref<1048576xf32, #tpu.memory_space<hbm>>
      tpu.enqueue_indirect_dma source(%dma_start3A_75 : memref<1048576xf32, #tpu.memory_space<hbm>>) target(%dma_start3A_70 : memref<128xf32, #tpu.memory_space<vmem>>) offsets(%dma_start3A_73 : memref<128xi32, #tpu.memory_space<vmem>>) semaphore(%arg9 : memref<!tpu.dma_semaphore, #tpu.memory_space<semaphore_mem>>)
      %add3A_76 = arith.constant 5 : i32
      %add3A_77 = arith.addi %mul3A_16, %add3A_76 : i32
      %add3A_78 = arith.constant 5 : i32
      %add3A_79 = arith.addi %mul3A_16, %add3A_78 : i32
      %dma_start3A_80 = arith.constant 0 : i32
      %dma_start3A_81 = tpu.memref_slice %arg8[%add3A_79, %dma_start3A_80] : memref<200x128xf32, #tpu.memory_space<vmem>> -> memref<1x128xf32, #tpu.memory_space<vmem>>
      %dma_start3A_82 = tpu.memref_squeeze %dma_start3A_81 : memref<1x128xf32, #tpu.memory_space<vmem>> -> memref<128xf32, #tpu.memory_space<vmem>>
      %dma_start3A_83 = arith.constant 0 : i32
      %dma_start3A_84 = tpu.memref_slice %arg7[%add3A_77, %dma_start3A_83] : memref<200x128xi32, #tpu.memory_space<vmem>> -> memref<1x128xi32, #tpu.memory_space<vmem>>
      %dma_start3A_85 = tpu.memref_squeeze %dma_start3A_84 : memref<1x128xi32, #tpu.memory_space<vmem>> -> memref<128xi32, #tpu.memory_space<vmem>>
      %dma_start3A_86 = arith.constant 0 : i32
      %dma_start3A_87 = tpu.memref_slice %arg2[%dma_start3A_86] : memref<1048576xf32, #tpu.memory_space<hbm>> -> memref<1048576xf32, #tpu.memory_space<hbm>>
      tpu.enqueue_indirect_dma source(%dma_start3A_87 : memref<1048576xf32, #tpu.memory_space<hbm>>) target(%dma_start3A_82 : memref<128xf32, #tpu.memory_space<vmem>>) offsets(%dma_start3A_85 : memref<128xi32, #tpu.memory_space<vmem>>) semaphore(%arg9 : memref<!tpu.dma_semaphore, #tpu.memory_space<semaphore_mem>>)
      %add3A_88 = arith.constant 6 : i32
      %add3A_89 = arith.addi %mul3A_16, %add3A_88 : i32
      %add3A_90 = arith.constant 6 : i32
      %add3A_91 = arith.addi %mul3A_16, %add3A_90 : i32
      %dma_start3A_92 = arith.constant 0 : i32
      %dma_start3A_93 = tpu.memref_slice %arg8[%add3A_91, %dma_start3A_92] : memref<200x128xf32, #tpu.memory_space<vmem>> -> memref<1x128xf32, #tpu.memory_space<vmem>>
      %dma_start3A_94 = tpu.memref_squeeze %dma_start3A_93 : memref<1x128xf32, #tpu.memory_space<vmem>> -> memref<128xf32, #tpu.memory_space<vmem>>
      %dma_start3A_95 = arith.constant 0 : i32
      %dma_start3A_96 = tpu.memref_slice %arg7[%add3A_89, %dma_start3A_95] : memref<200x128xi32, #tpu.memory_space<vmem>> -> memref<1x128xi32, #tpu.memory_space<vmem>>
      %dma_start3A_97 = tpu.memref_squeeze %dma_start3A_96 : memref<1x128xi32, #tpu.memory_space<vmem>> -> memref<128xi32, #tpu.memory_space<vmem>>
      %dma_start3A_98 = arith.constant 0 : i32
      %dma_start3A_99 = tpu.memref_slice %arg2[%dma_start3A_98] : memref<1048576xf32, #tpu.memory_space<hbm>> -> memref<1048576xf32, #tpu.memory_space<hbm>>
      tpu.enqueue_indirect_dma source(%dma_start3A_99 : memref<1048576xf32, #tpu.memory_space<hbm>>) target(%dma_start3A_94 : memref<128xf32, #tpu.memory_space<vmem>>) offsets(%dma_start3A_97 : memref<128xi32, #tpu.memory_space<vmem>>) semaphore(%arg9 : memref<!tpu.dma_semaphore, #tpu.memory_space<semaphore_mem>>)
      %add3A_100 = arith.constant 7 : i32
      %add3A_101 = arith.addi %mul3A_16, %add3A_100 : i32
      %add3A_102 = arith.constant 7 : i32
      %add3A_103 = arith.addi %mul3A_16, %add3A_102 : i32
      %dma_start3A_104 = arith.constant 0 : i32
      %dma_start3A_105 = tpu.memref_slice %arg8[%add3A_103, %dma_start3A_104] : memref<200x128xf32, #tpu.memory_space<vmem>> -> memref<1x128xf32, #tpu.memory_space<vmem>>
      %dma_start3A_106 = tpu.memref_squeeze %dma_start3A_105 : memref<1x128xf32, #tpu.memory_space<vmem>> -> memref<128xf32, #tpu.memory_space<vmem>>
      %dma_start3A_107 = arith.constant 0 : i32
      %dma_start3A_108 = tpu.memref_slice %arg7[%add3A_101, %dma_start3A_107] : memref<200x128xi32, #tpu.memory_space<vmem>> -> memref<1x128xi32, #tpu.memory_space<vmem>>
      %dma_start3A_109 = tpu.memref_squeeze %dma_start3A_108 : memref<1x128xi32, #tpu.memory_space<vmem>> -> memref<128xi32, #tpu.memory_space<vmem>>
      %dma_start3A_110 = arith.constant 0 : i32
      %dma_start3A_111 = tpu.memref_slice %arg2[%dma_start3A_110] : memref<1048576xf32, #tpu.memory_space<hbm>> -> memref<1048576xf32, #tpu.memory_space<hbm>>
      tpu.enqueue_indirect_dma source(%dma_start3A_111 : memref<1048576xf32, #tpu.memory_space<hbm>>) target(%dma_start3A_106 : memref<128xf32, #tpu.memory_space<vmem>>) offsets(%dma_start3A_109 : memref<128xi32, #tpu.memory_space<vmem>>) semaphore(%arg9 : memref<!tpu.dma_semaphore, #tpu.memory_space<semaphore_mem>>)
      %dma_wait3A = arith.constant 0 : i32
      %dma_wait3A_112 = tpu.memref_slice %arg8[%add3A_20, %dma_wait3A] : memref<200x128xf32, #tpu.memory_space<vmem>> -> memref<1x128xf32, #tpu.memory_space<vmem>>
      %dma_wait3A_113 = tpu.memref_squeeze %dma_wait3A_112 : memref<1x128xf32, #tpu.memory_space<vmem>> -> memref<128xf32, #tpu.memory_space<vmem>>
      %dma_wait3A_114 = arith.constant 0 : i32
      %dma_wait3A_115 = tpu.memref_slice %arg7[%add3A_18, %dma_wait3A_114] : memref<200x128xi32, #tpu.memory_space<vmem>> -> memref<1x128xi32, #tpu.memory_space<vmem>>
      %dma_wait3A_116 = tpu.memref_squeeze %dma_wait3A_115 : memref<1x128xi32, #tpu.memory_space<vmem>> -> memref<128xi32, #tpu.memory_space<vmem>>
      %dma_wait3A_117 = arith.constant 0 : i32
      %dma_wait3A_118 = tpu.memref_slice %arg2[%dma_wait3A_117] : memref<1048576xf32, #tpu.memory_space<hbm>> -> memref<1048576xf32, #tpu.memory_space<hbm>>
      tpu.wait_indirect_dma semaphore(%arg9 : memref<!tpu.dma_semaphore, #tpu.memory_space<semaphore_mem>>) src(%dma_wait3A_118 : memref<1048576xf32, #tpu.memory_space<hbm>>) dst(%dma_wait3A_113 : memref<128xf32, #tpu.memory_space<vmem>>)
      %dma_wait3A_119 = arith.constant 0 : i32
      %dma_wait3A_120 = tpu.memref_slice %arg8[%add3A_31, %dma_wait3A_119] : memref<200x128xf32, #tpu.memory_space<vmem>> -> memref<1x128xf32, #tpu.memory_space<vmem>>
      %dma_wait3A_121 = tpu.memref_squeeze %dma_wait3A_120 : memref<1x128xf32, #tpu.memory_space<vmem>> -> memref<128xf32, #tpu.memory_space<vmem>>
      %dma_wait3A_122 = arith.constant 0 : i32
      %dma_wait3A_123 = tpu.memref_slice %arg7[%add3A_29, %dma_wait3A_122] : memref<200x128xi32, #tpu.memory_space<vmem>> -> memref<1x128xi32, #tpu.memory_space<vmem>>
      %dma_wait3A_124 = tpu.memref_squeeze %dma_wait3A_123 : memref<1x128xi32, #tpu.memory_space<vmem>> -> memref<128xi32, #tpu.memory_space<vmem>>
      %dma_wait3A_125 = arith.constant 0 : i32
      %dma_wait3A_126 = tpu.memref_slice %arg2[%dma_wait3A_125] : memref<1048576xf32, #tpu.memory_space<hbm>> -> memref<1048576xf32, #tpu.memory_space<hbm>>
      tpu.wait_indirect_dma semaphore(%arg9 : memref<!tpu.dma_semaphore, #tpu.memory_space<semaphore_mem>>) src(%dma_wait3A_126 : memref<1048576xf32, #tpu.memory_space<hbm>>) dst(%dma_wait3A_121 : memref<128xf32, #tpu.memory_space<vmem>>)
      %dma_wait3A_127 = arith.constant 0 : i32
      %dma_wait3A_128 = tpu.memref_slice %arg8[%add3A_43, %dma_wait3A_127] : memref<200x128xf32, #tpu.memory_space<vmem>> -> memref<1x128xf32, #tpu.memory_space<vmem>>
      %dma_wait3A_129 = tpu.memref_squeeze %dma_wait3A_128 : memref<1x128xf32, #tpu.memory_space<vmem>> -> memref<128xf32, #tpu.memory_space<vmem>>
      %dma_wait3A_130 = arith.constant 0 : i32
      %dma_wait3A_131 = tpu.memref_slice %arg7[%add3A_41, %dma_wait3A_130] : memref<200x128xi32, #tpu.memory_space<vmem>> -> memref<1x128xi32, #tpu.memory_space<vmem>>
      %dma_wait3A_132 = tpu.memref_squeeze %dma_wait3A_131 : memref<1x128xi32, #tpu.memory_space<vmem>> -> memref<128xi32, #tpu.memory_space<vmem>>
      %dma_wait3A_133 = arith.constant 0 : i32
      %dma_wait3A_134 = tpu.memref_slice %arg2[%dma_wait3A_133] : memref<1048576xf32, #tpu.memory_space<hbm>> -> memref<1048576xf32, #tpu.memory_space<hbm>>
      tpu.wait_indirect_dma semaphore(%arg9 : memref<!tpu.dma_semaphore, #tpu.memory_space<semaphore_mem>>) src(%dma_wait3A_134 : memref<1048576xf32, #tpu.memory_space<hbm>>) dst(%dma_wait3A_129 : memref<128xf32, #tpu.memory_space<vmem>>)
      %dma_wait3A_135 = arith.constant 0 : i32
      %dma_wait3A_136 = tpu.memref_slice %arg8[%add3A_55, %dma_wait3A_135] : memref<200x128xf32, #tpu.memory_space<vmem>> -> memref<1x128xf32, #tpu.memory_space<vmem>>
      %dma_wait3A_137 = tpu.memref_squeeze %dma_wait3A_136 : memref<1x128xf32, #tpu.memory_space<vmem>> -> memref<128xf32, #tpu.memory_space<vmem>>
      %dma_wait3A_138 = arith.constant 0 : i32
      %dma_wait3A_139 = tpu.memref_slice %arg7[%add3A_53, %dma_wait3A_138] : memref<200x128xi32, #tpu.memory_space<vmem>> -> memref<1x128xi32, #tpu.memory_space<vmem>>
      %dma_wait3A_140 = tpu.memref_squeeze %dma_wait3A_139 : memref<1x128xi32, #tpu.memory_space<vmem>> -> memref<128xi32, #tpu.memory_space<vmem>>
      %dma_wait3A_141 = arith.constant 0 : i32
      %dma_wait3A_142 = tpu.memref_slice %arg2[%dma_wait3A_141] : memref<1048576xf32, #tpu.memory_space<hbm>> -> memref<1048576xf32, #tpu.memory_space<hbm>>
      tpu.wait_indirect_dma semaphore(%arg9 : memref<!tpu.dma_semaphore, #tpu.memory_space<semaphore_mem>>) src(%dma_wait3A_142 : memref<1048576xf32, #tpu.memory_space<hbm>>) dst(%dma_wait3A_137 : memref<128xf32, #tpu.memory_space<vmem>>)
      %dma_wait3A_143 = arith.constant 0 : i32
      %dma_wait3A_144 = tpu.memref_slice %arg8[%add3A_67, %dma_wait3A_143] : memref<200x128xf32, #tpu.memory_space<vmem>> -> memref<1x128xf32, #tpu.memory_space<vmem>>
      %dma_wait3A_145 = tpu.memref_squeeze %dma_wait3A_144 : memref<1x128xf32, #tpu.memory_space<vmem>> -> memref<128xf32, #tpu.memory_space<vmem>>
      %dma_wait3A_146 = arith.constant 0 : i32
      %dma_wait3A_147 = tpu.memref_slice %arg7[%add3A_65, %dma_wait3A_146] : memref<200x128xi32, #tpu.memory_space<vmem>> -> memref<1x128xi32, #tpu.memory_space<vmem>>
      %dma_wait3A_148 = tpu.memref_squeeze %dma_wait3A_147 : memref<1x128xi32, #tpu.memory_space<vmem>> -> memref<128xi32, #tpu.memory_space<vmem>>
      %dma_wait3A_149 = arith.constant 0 : i32
      %dma_wait3A_150 = tpu.memref_slice %arg2[%dma_wait3A_149] : memref<1048576xf32, #tpu.memory_space<hbm>> -> memref<1048576xf32, #tpu.memory_space<hbm>>
      tpu.wait_indirect_dma semaphore(%arg9 : memref<!tpu.dma_semaphore, #tpu.memory_space<semaphore_mem>>) src(%dma_wait3A_150 : memref<1048576xf32, #tpu.memory_space<hbm>>) dst(%dma_wait3A_145 : memref<128xf32, #tpu.memory_space<vmem>>)
      %dma_wait3A_151 = arith.constant 0 : i32
      %dma_wait3A_152 = tpu.memref_slice %arg8[%add3A_79, %dma_wait3A_151] : memref<200x128xf32, #tpu.memory_space<vmem>> -> memref<1x128xf32, #tpu.memory_space<vmem>>
      %dma_wait3A_153 = tpu.memref_squeeze %dma_wait3A_152 : memref<1x128xf32, #tpu.memory_space<vmem>> -> memref<128xf32, #tpu.memory_space<vmem>>
      %dma_wait3A_154 = arith.constant 0 : i32
      %dma_wait3A_155 = tpu.memref_slice %arg7[%add3A_77, %dma_wait3A_154] : memref<200x128xi32, #tpu.memory_space<vmem>> -> memref<1x128xi32, #tpu.memory_space<vmem>>
      %dma_wait3A_156 = tpu.memref_squeeze %dma_wait3A_155 : memref<1x128xi32, #tpu.memory_space<vmem>> -> memref<128xi32, #tpu.memory_space<vmem>>
      %dma_wait3A_157 = arith.constant 0 : i32
      %dma_wait3A_158 = tpu.memref_slice %arg2[%dma_wait3A_157] : memref<1048576xf32, #tpu.memory_space<hbm>> -> memref<1048576xf32, #tpu.memory_space<hbm>>
      tpu.wait_indirect_dma semaphore(%arg9 : memref<!tpu.dma_semaphore, #tpu.memory_space<semaphore_mem>>) src(%dma_wait3A_158 : memref<1048576xf32, #tpu.memory_space<hbm>>) dst(%dma_wait3A_153 : memref<128xf32, #tpu.memory_space<vmem>>)
      %dma_wait3A_159 = arith.constant 0 : i32
      %dma_wait3A_160 = tpu.memref_slice %arg8[%add3A_91, %dma_wait3A_159] : memref<200x128xf32, #tpu.memory_space<vmem>> -> memref<1x128xf32, #tpu.memory_space<vmem>>
      %dma_wait3A_161 = tpu.memref_squeeze %dma_wait3A_160 : memref<1x128xf32, #tpu.memory_space<vmem>> -> memref<128xf32, #tpu.memory_space<vmem>>
      %dma_wait3A_162 = arith.constant 0 : i32
      %dma_wait3A_163 = tpu.memref_slice %arg7[%add3A_89, %dma_wait3A_162] : memref<200x128xi32, #tpu.memory_space<vmem>> -> memref<1x128xi32, #tpu.memory_space<vmem>>
      %dma_wait3A_164 = tpu.memref_squeeze %dma_wait3A_163 : memref<1x128xi32, #tpu.memory_space<vmem>> -> memref<128xi32, #tpu.memory_space<vmem>>
      %dma_wait3A_165 = arith.constant 0 : i32
      %dma_wait3A_166 = tpu.memref_slice %arg2[%dma_wait3A_165] : memref<1048576xf32, #tpu.memory_space<hbm>> -> memref<1048576xf32, #tpu.memory_space<hbm>>
      tpu.wait_indirect_dma semaphore(%arg9 : memref<!tpu.dma_semaphore, #tpu.memory_space<semaphore_mem>>) src(%dma_wait3A_166 : memref<1048576xf32, #tpu.memory_space<hbm>>) dst(%dma_wait3A_161 : memref<128xf32, #tpu.memory_space<vmem>>)
      %dma_wait3A_167 = arith.constant 0 : i32
      %dma_wait3A_168 = tpu.memref_slice %arg8[%add3A_103, %dma_wait3A_167] : memref<200x128xf32, #tpu.memory_space<vmem>> -> memref<1x128xf32, #tpu.memory_space<vmem>>
      %dma_wait3A_169 = tpu.memref_squeeze %dma_wait3A_168 : memref<1x128xf32, #tpu.memory_space<vmem>> -> memref<128xf32, #tpu.memory_space<vmem>>
      %dma_wait3A_170 = arith.constant 0 : i32
      %dma_wait3A_171 = tpu.memref_slice %arg7[%add3A_101, %dma_wait3A_170] : memref<200x128xi32, #tpu.memory_space<vmem>> -> memref<1x128xi32, #tpu.memory_space<vmem>>
      %dma_wait3A_172 = tpu.memref_squeeze %dma_wait3A_171 : memref<1x128xi32, #tpu.memory_space<vmem>> -> memref<128xi32, #tpu.memory_space<vmem>>
      %dma_wait3A_173 = arith.constant 0 : i32
      %dma_wait3A_174 = tpu.memref_slice %arg2[%dma_wait3A_173] : memref<1048576xf32, #tpu.memory_space<hbm>> -> memref<1048576xf32, #tpu.memory_space<hbm>>
      tpu.wait_indirect_dma semaphore(%arg9 : memref<!tpu.dma_semaphore, #tpu.memory_space<semaphore_mem>>) src(%dma_wait3A_174 : memref<1048576xf32, #tpu.memory_space<hbm>>) dst(%dma_wait3A_169 : memref<128xf32, #tpu.memory_space<vmem>>)
    }
    %scan3A_13 = arith.constant 25 : i32
    "tpu.region"() ({
      %run_scoped3A = tpu.sem_alloc : memref<!tpu.dma_semaphore, #tpu.memory_space<semaphore_mem>>
      %dma_start3A = arith.constant 0 : i32
      %dma_start3A_14 = tpu.memref_slice %arg6[%mul3A_2, %dma_start3A] : memref<6400x128xf32, #tpu.memory_space<hbm>> -> memref<200x128xf32, #tpu.memory_space<hbm>>
      %dma_start3A_15 = arith.constant 0 : i32
      %dma_start3A_16 = tpu.memref_slice %arg6[%mul3A_2, %dma_start3A_15] : memref<6400x128xf32, #tpu.memory_space<hbm>> -> memref<200x128xf32, #tpu.memory_space<hbm>>
      tpu.enqueue_dma source(%arg8 : memref<200x128xf32, #tpu.memory_space<vmem>>) target(%dma_start3A_16 : memref<200x128xf32, #tpu.memory_space<hbm>>) target_semaphore(%run_scoped3A : memref<!tpu.dma_semaphore, #tpu.memory_space<semaphore_mem>>)
      %dma_wait3A = arith.constant 0 : i32
      %dma_wait3A_17 = tpu.memref_slice %arg6[%mul3A_2, %dma_wait3A] : memref<6400x128xf32, #tpu.memory_space<hbm>> -> memref<200x128xf32, #tpu.memory_space<hbm>>
      %dma_wait3A_18 = arith.constant 0 : i32
      %dma_wait3A_19 = tpu.memref_slice %arg6[%mul3A_2, %dma_wait3A_18] : memref<6400x128xf32, #tpu.memory_space<hbm>> -> memref<200x128xf32, #tpu.memory_space<hbm>>
      tpu.wait_dma2 semaphore(%run_scoped3A : memref<!tpu.dma_semaphore, #tpu.memory_space<semaphore_mem>>) src(%arg8 : memref<200x128xf32, #tpu.memory_space<vmem>>) dst(%dma_wait3A_19 : memref<200x128xf32, #tpu.memory_space<hbm>>)
      tpu.yield
    }) : () -> ()
    return
  }
}

module attributes {stable_mosaic.version = 14 : i64} {
  func.func @_tc_matvec_body(%arg0: i32, %arg1: memref<32768x128xf32, #tpu.memory_space<vmem>>, %arg2: memref<2x128xf32, #tpu.memory_space<vmem>>, %arg3: memref<1xf32, #tpu.memory_space<smem>>, %arg4: memref<2x32768xf32, #tpu.memory_space<vmem>>) attributes {dimension_semantics = [#tpu.dimension_semantics<arbitrary>], iteration_bounds = array<i64: 16>, scalar_prefetch = 0 : i64, scratch_operands = 0 : i64, tpu.core_type = #tpu.core_type<tc>, window_params = [{transform_indices = @transform_0, window_bounds = array<i64: 32768, 128>}, {pipeline_mode = #tpu.pipeline_mode<synchronous>, transform_indices = @transform_1, window_bounds = array<i64: 2, 128>}, {transform_indices = @transform_2, window_bounds = array<i64: 1>}, {transform_indices = @transform_3, window_bounds = array<i64: 2, 32768>}]} {
    %get3A = arith.constant 0 : index
    %get3A_0 = arith.constant 0 : index
    %get3A_1 = vector.load %arg2[%get3A, %get3A_0] : memref<2x128xf32, #tpu.memory_space<vmem>>, vector<2x128xf32>
    %get3A_2 = arith.constant 0 : index
    %get3A_3 = arith.constant 0 : index
    %get3A_4 = vector.load %arg1[%get3A_2, %get3A_3] : memref<32768x128xf32, #tpu.memory_space<vmem>>, vector<32768x128xf32>
    %dot_general3A = arith.constant dense<0.000000e+00> : vector<2x32768xf32>
    %dot_general3A_5 = tpu.matmul %get3A_1, %get3A_4, %dot_general3A {dimension_numbers = #tpu.dot_dimension_numbers<[1], [1], [0], [0], [0, 0, 1, 0], [], []>, transpose_lhs_hint = false} : vector<2x128xf32>, vector<32768x128xf32>, vector<2x32768xf32> -> vector<2x32768xf32>
    %get3A_6 = arith.constant 0 : index
    %get3A_7 = memref.load %arg3[%get3A_6] : memref<1xf32, #tpu.memory_space<smem>>
    %add3A = vector.broadcast %get3A_7 : f32 to vector<2x32768xf32>
    %add3A_8 = arith.addf %dot_general3A_5, %add3A : vector<2x32768xf32>
    %swap3A = arith.constant 0 : index
    %swap3A_9 = arith.constant 0 : index
    %swap3A_10 = vector.load %arg4[%swap3A, %swap3A_9] : memref<2x32768xf32, #tpu.memory_space<vmem>>, vector<2x32768xf32>
    tpu.vector_store %arg4[%swap3A, %swap3A_9], %add3A_8 {strides = array<i32>} : memref<2x32768xf32, #tpu.memory_space<vmem>>, vector<2x32768xf32>,
    return
  }
  func.func @transform_0(%arg0: i32) -> (i32, i32) {
    %c0_i32 = arith.constant 0 : i32
    %c0_i32_0 = arith.constant 0 : i32
    return %arg0, %c0_i32 : i32, i32
  }
  func.func @transform_1(%arg0: i32) -> (i32, i32) {
    %c0_i32 = arith.constant 0 : i32
    %c0_i32_0 = arith.constant 0 : i32
    %c0_i32_1 = arith.constant 0 : i32
    return %c0_i32, %c0_i32_0 : i32, i32
  }
  func.func @transform_2(%arg0: i32) -> i32 {
    %c0_i32 = arith.constant 0 : i32
    %c0_i32_0 = arith.constant 0 : i32
    return %c0_i32 : i32
  }
  func.func @transform_3(%arg0: i32) -> (i32, i32) {
    %c0_i32 = arith.constant 0 : i32
    %c0_i32_0 = arith.constant 0 : i32
    return %c0_i32, %arg0 : i32, i32
  }
}

</mosaic_0001>

<sc_bundles>
// kernel: kernel.4.cloned.1.call-start
scs
__scs_entry_jumppad:
0x0: {  	(pc) =	sbr.rel $0x88, $3  }
0x1: {  	(tag) =	ssettag $0x0;
	lr =	simm.s32 $0x1  }
0x2: {  	[smem:$0x3F9C] =	sst lr;
	_ =	strace $0xD0000000  }
0x3: {  	_ = 	snop  }
0x4: {  	_ = 	snop  }
0x5: {  	_ = 	snop  }
0x6: {  	_ = 	snop  }
0x7: {  	_ = 	snop  }
__scs_overlays_trampoline_lowered:
0x8: {  	[smem:$0x3FAB] =	sst s0  }
0x9: {  	[smem:$0x3FAC] =	sst s1  }
0xa: {  	[smem:$0x3FAD] =	sst s2  }
0xb: {  	[smem:$0x3FAE] =	sst s3  }
0xc: {  	[smem:$0x3FAF] =	sst s4  }
0xd: {  	[smem:$0x3FB0] =	sst s5  }
0xe: {  	[smem:$0x3FB1] =	sst s6  }
0xf: {  	[smem:$0x3FB2] =	sst s7  }
0x10: {  	[smem:$0x3FB3] =	sst s8  }
0x11: {  	[smem:$0x3FB4] =	sst s9;
	s0 =	simm.s32 @!p0 $0x0  }
0x12: {  	s1 =	sld [smem:$0x3F9A];
	s0 =	simm.s32 @p0 $0x1  }
0x13: {  	[smem:$0x3FB5] =	sst s0;
	s0 =	simm.s32 @!p1 $0x0  }
0x14: {  	s2 =	sld [smem:$0x3F99];
	s0 =	simm.s32 @p1 $0x1  }
0x15: {  	[smem:$0x3FB6] =	sst s0;
	s0 =	simm.s32 @!p2 $0x0  }
0x16: {  	s3 =	sld [smem:$0x3FDB];
	s0 =	simm.s32 @p2 $0x1  }
0x17: {  	s4 =	simm.s32 $0x1BF5;
	[smem:$0x3FB8] =	sst s0  }
0x18: {  	s0 =	sld [smem:$0x3F9B];
	_ =	swait.ge [sflag:s4], $0x0  }
0x19: {  	s7 =	sld [smem:$0x3F9C]  }
0x1a: {  	s8 =	sadd.s32 $0xFFFFE003, lr  }
0x1b: {  	s9 =	sadd.s32 $0xFFFFFEF7, lr;
	s5 =	simm.s32 $0xFFFFFFFF;
	p2 =	slt.u32 s8, $0xFFFFF086  }
0x1c: {  	p1 =	slt.u32 s9, $0xF7A;
	s5 =	simm.s32 @!p2 $0x0  }
0x1d: {  	s5 =	simm.s32 @p1 $0x1;
	p0 =	seq.s32 s7, s2  }
0x1e: {  	s7 =	smul.u32 @!p0 $0xF7A, s2;
	p2 =	seq.s32 @!p0 s5, $0x0  }
0x1f: {  	s9 =	smul.u32 $0xF7A, s1;
	s8 =	simm.s32 @!p0 $0x1BF5;
	p2 =	por !p2, p0  }
0x20: {  	[sflag:s8] =	ssyncset.s32 @!p0 $0xFFFFF086;
	s6 =	sadd.s32 @!p0 s3, s7;
	s7 =	simm.s32 @!p0 $0x108  }
0x21: {  	s3 =	sadd.s32 s3, s9;
	s6 =	sadd.s32 @!p0 $0x88, s6;
	s7 =	simm.s32 @p2 $0x1082  }
0x22: {  	[simem:s7], [sflag:s8] =	dma.local @!p0 [hbm:s6], $0xF7A  }
0x23: {  	s9 =	sor.u32 $0xD0000000, s2;
	s6 =	simm.s32 $0x108;
	_ =	swait.ge @!p0 [sflag:s8], $0x0  }
0x24: {  	s3 =	sadd.s32 $0x88, s3;
	s6 =	simm.s32 @!p1 $0x1082;
	[sflag:s4] =	ssyncset.s32 $0xFFFFF086  }
0x25: {  	[simem:s6], [sflag:s4] =	dma.local [hbm:s3], $0xF7A  }
0x26: {  	[smem:$0x3F9C] =	sst s1;
	(tag) =	ssettag s2;
	_ =	strace s9  }
0x27: {  	s1 =	sld [smem:$0x3FAC]  }
0x28: {  	s2 =	sld [smem:$0x3FAD]  }
0x29: {  	s4 =	sld [smem:$0x3FAF]  }
0x2a: {  	p0 =	seq.s32 s5, $0x0;
	s5 =	sld [smem:$0x3FB0]  }
0x2b: {  	s6 =	sld [smem:$0x3FB1]  }
0x2c: {  	s7 =	sld [smem:$0x3FB2]  }
0x2d: {  	s3 =	simm.s32 $0x108;
	s8 =	sld [smem:$0x3FB3]  }
0x2e: {  	s3 =	simm.s32 @!p0 $0x1082;
	s9 =	sld [smem:$0x3FB4]  }
0x2f: {  	lr =	sadd.s32 s0, s3;
	s0 =	sld [smem:$0x3FAB]  }
0x30: {  	s3 =	sld [smem:$0x3FAE]  }
0x31: {  	[smem:$0x3FB7] =	sst s10  }
0x32: {  	s10 =	sld [smem:$0x3FB5];
	_ =	sdelay $0x3  }
0x33: {  	p0 =	seq.s32 s10, $0x1;
	s10 =	sld [smem:$0x3FB7];
	_ =	sdelay $0x3  }
0x34: {  	[smem:$0x3FB7] =	sst s10  }
0x35: {  	s10 =	sld [smem:$0x3FB6];
	_ =	sdelay $0x3  }
0x36: {  	p1 =	seq.s32 s10, $0x1;
	s10 =	sld [smem:$0x3FB7];
	_ =	sdelay $0x3  }
0x37: {  	[smem:$0x3FB7] =	sst s10  }
0x38: {  	s10 =	sld [smem:$0x3FB8]  }
0x39: {  	_ = 	snop;
	(pc) =	sbr.ind lr, $3  }
0x3a: {  	_ = 	snop  }
0x3b: {  	_ = 	snop  }
0x3c: {  	p2 =	seq.s32 s10, $0x1;
	s10 =	sld [smem:$0x3FB7]  }
0x3d: {  	_ =	shalt  }
0x3e: {  	_ =	shalt  }
0x3f: {  	_ =	shalt  }
0x40: {  	_ =	shalt  }
0x41: {  	_ =	shalt  }
0x42: {  	_ =	shalt  }
0x43: {  	_ =	shalt  }
0x44: {  	_ =	shalt  }
0x45: {  	_ =	shalt  }
0x46: {  	_ =	shalt  }
0x47: {  	_ =	shalt  }
0x48: {  	_ =	shalt  }
0x49: {  	_ =	shalt  }
0x4a: {  	_ =	shalt  }
0x4b: {  	_ =	shalt  }
0x4c: {  	_ =	shalt  }
0x4d: {  	_ =	shalt  }
0x4e: {  	_ =	shalt  }
0x4f: {  	_ =	shalt  }
0x50: {  	_ =	shalt  }
0x51: {  	_ =	shalt  }
0x52: {  	_ =	shalt  }
0x53: {  	_ =	shalt  }
0x54: {  	_ =	shalt  }
0x55: {  	_ =	shalt  }
0x56: {  	_ =	shalt  }
0x57: {  	_ =	shalt  }
0x58: {  	_ =	shalt  }
0x59: {  	_ =	shalt  }
0x5a: {  	_ =	shalt  }
0x5b: {  	_ =	shalt  }
0x5c: {  	_ =	shalt  }
0x5d: {  	_ =	shalt  }
0x5e: {  	_ =	shalt  }
0x5f: {  	_ =	shalt  }
0x60: {  	_ =	shalt  }
0x61: {  	_ =	shalt  }
0x62: {  	_ =	shalt  }
0x63: {  	_ =	shalt  }
0x64: {  	_ =	shalt  }
0x65: {  	_ =	shalt  }
0x66: {  	_ =	shalt  }
0x67: {  	_ =	shalt  }
0x68: {  	_ =	shalt  }
0x69: {  	_ =	shalt  }
0x6a: {  	_ =	shalt  }
0x6b: {  	_ =	shalt  }
0x6c: {  	_ =	shalt  }
0x6d: {  	_ =	shalt  }
0x6e: {  	_ =	shalt  }
0x6f: {  	_ =	shalt  }
0x70: {  	_ =	shalt  }
0x71: {  	_ =	shalt  }
0x72: {  	_ =	shalt  }
0x73: {  	_ =	shalt  }
0x74: {  	_ =	shalt  }
0x75: {  	_ =	shalt  }
0x76: {  	_ =	shalt  }
0x77: {  	_ =	shalt  }
0x78: {  	_ =	shalt  }
0x79: {  	_ =	shalt  }
0x7a: {  	_ =	shalt  }
0x7b: {  	_ =	shalt  }
0x7c: {  	_ =	shalt  }
0x7d: {  	_ =	shalt  }
0x7e: {  	_ =	shalt  }
0x7f: {  	_ =	shalt  }
0x80: {  	_ =	shalt  }
0x81: {  	_ =	shalt  }
0x82: {  	_ =	shalt  }
0x83: {  	_ =	shalt  }
0x84: {  	_ =	shalt  }
0x85: {  	_ =	shalt  }
0x86: {  	_ =	shalt  }
0x87: {  	_ =	shalt  }
.Lfunc_end0:
.L_simem_size_0:
called_computation_lowered:
.L_overlay_start_0:
0x88: {  	s2 =	sld [smem:$0x3FD9]  }
0x89: {  	s3 =	sld [smem:$0x3FFE];
	_ =	sdelay $0x1  }
0x8a: {  	s1 =	srdreg.scid  }
0x8b: {  	s0 =	sand.u32 $0x1, s1  }
0x8c: {  	s14 =	sshll.u32 s0, $0xA;
	s2 =	sadd.s32 s3, s2  }
0x8d: {  	s2 =	sadd.s32 s2, s14  }
0x8e: {  	[smem:$0x3FC3] =	sst s2  }
0x8f: {  	_ = 	snop  }
0x90: {  	s2 =	sld [smem:$0x3FD0];
	_ =	sdelay $0x2  }
0x91: {  	s15 =	simm.s32 $0xA;
	s4 =	simm.s32 $0x10  }
0x92: {  	[smem:s4], [sflag:s15] =	dma.local [hbm:s2], $0x1  }
0x93: {  	_ =	swait.eq [sflag:s15], $0x1  }
0x94: {  	[sflag:s15] =	ssyncset.done $0x0  }
0x95: {  	s16 =	sld [smem:$0x10];
	[sflag:s15] =	ssyncadd.s32 $0xFFFFFFFF  }
0x96: {  	s17 =	sld [smem:$0x11];
	(tm) =	ssettm $0x1  }
0x97: {  	s18 =	sld [smem:$0x3FFB];
	_ =	sdelay $0x3  }
0x98: {  	_ =	strace s18  }
0x99: {  	s4 =	sld [smem:$0x3FFC];
	_ =	sdelay $0x3  }
0x9a: {  	_ =	strace s4  }
0x9b: {  	s4 =	sld [smem:$0x3FFD];
	_ =	sdelay $0x3  }
0x9c: {  	_ =	strace s4  }
0x9d: {  	_ =	strace $0x8FFFFFFF  }
0x9e: {  	s19 =	sld [smem:$0x3FDB];
	_ =	sdelay $0x1  }
0x9f: {  	s5 =	simm.s32 $_scs_section_size  }
0xa0: {  	s6 =	simm.s32 $_size__tile_overlayer_lowered;
	s7 =	simm.s32 $_tile_overlayer_lowered  }
0xa1: {  	s22 =	simm.s32 $0x1BFF;
	s21 =	sshll.u32 s7, $0x1;
	s4 =	sadd.s32 s5, s19  }
0xa2: {  	s8 =	simm.s32 $0x0;
	s20 =	sshll.u32 s6, $0x1;
	s6 =	sadd.s32 s21, s4  }
0xa3: {  	[timem:s8], [sflag:s22] =	dma.local [hbm:s6], s20  }
0xa4: {  	_ =	swait.ge [sflag:s22], s20  }
0xa5: {  	s5 =	ssub.s32 $0x0, s20;
	[sflag:s22] =	ssyncset.done $0x0  }
0xa6: {  	[sflag:s22] =	ssyncadd.s32 s5;
	_ =	sdelay $0x1  }
0xa7: {  	s23 =	simm.s32 $0x1B8B  }
0xa8: {  	_ =	swait.ge [sflag:s23], $0x1  }
0xa9: {  	[sflag:s23] =	ssyncset.done $0x0  }
0xaa: {  	s25 =	simm.s32 $0x1B8E;
	s24 =	sld [smem:$0x3FFE];
	[sflag:s23] =	ssyncadd.s32 $0xFFFFFFFF  }
0xab: {  	s26 =	simm.s32 $execute0_lowered;
	[smem:$0x3FD2] =	sst s25  }
0xac: {  	s6 =	sshll.u32 s26, $0x1;
	_ =	strace $0x80000046;
	[dreg:$0x1] =	wrdreg $0xFFFFFFFF  }
0xad: {  	s28 =	simm.s32 $_size_execute0_lowered;
	s4 =	sadd.s32 s4, s6;
	[dreg:$0x0] =	wrdreg $0x0  }
0xae: {  	s6 =	sshll.u32 s28, $0x1;
	[dreg:$0x2] =	wrdreg s4  }
0xaf: {  	[dreg:$0x3] =	wrdreg s6  }
0xb0: {  	[dreg:$0x4] =	wrdreg $0xC0  }
0xb1: {  	_ =	task [dreg:s8], $0x5FFFF  }
0xb2: {  	[dreg:$0x1] =	wrdreg $0xFFFFFFFF  }
0xb3: {  	[dreg:$0x0] =	wrdreg $0x60  }
0xb4: {  	[dreg:$0x2] =	wrdreg s24  }
0xb5: {  	[dreg:$0x3] =	wrdreg s17  }
0xb6: {  	[dreg:$0x4] =	wrdreg s16  }
0xb7: {  	[dreg:$0x5] =	wrdreg $0x9  }
0xb8: {  	_ =	task.clear_ibuf [dreg:s8], $0x6FFFF;
	_ =	strace $0x90000046  }
0xb9: {  	s29 =	simm.s32 $0x9;
	_ =	strace $0x80000048  }
0xba: {  	_ =	swait.ge [sflag:s29], $0x1  }
0xbb: {  	[sflag:s29] =	ssyncadd.s32 $0xFFFFFFFF  }
0xbc: {  	_ =	strace $0x90000048  }
0xbd: {  	_ =	sfence  }
0xbe: {  	s30 =	sld [smem:$0x0];
	_ =	sdelay $0x2  }
0xbf: {  	s31 =	sshll.u32 s1, $0xD;
	s1 =	sshrl.u32 s1, $0x2  }
0xc0: {  	s3 =	sand.u32 $0x4000, s31;
	s1 =	sadd.s32 s1, s30  }
0xc1: {  	s0 =	sor.u32 s3, s0;
	s1 =	sshll.u32 s1, $0x11  }
0xc2: {  	s0 =	sor.u32 s1, s0  }
0xc3: {  	s0 =	sadd.s32 $0x8F2B, s0  }
0xc4: {  	[sflag:s0] =	ssyncadd.remote.s32 $0x1  }
0xc5: {  	_ =	sfence.sel $0xFFFF  }
0xc6: {  	[dreg:$0x0] =	wrdreg $0xFFFFFFFF;
	(pc) =	sbr.abs _section_cstart, $3  }
0xc7: {  	[dreg:$0x1] =	wrdreg $0xFFFFFFFF  }
0xc8: {  	_ =	task.clear_ibuf [dreg:s8], $0x2FFFF;
	_ =	strace $0x9FFFFFFF  }
0xc9: {  	(tm) =	ssettm $0x7FFFFFFF  }
tec
execute0_lowered:
.L_overlay_start_1:
0x0: {  	(tag) =	ssettag $0x1  }
0x1: {  	s4 =	rddreg [dreg:$0x0]  }
0x2: {  	s5 =	rddreg [dreg:$0x1]  }
0x3: {  	s1 =	srdreg.scid;
	s0 =	stileid.u32  }
0x4: {  	s6 =	rddreg [dreg:$0x2];
	s2 =	simm.s32 $0x0;
	s11 =	simm.s32 $0x1  }
0x5: {  	s12 =	simm.s32 $0x6400;
	s3 =	sand.u32 $0x1, s1;
	s7 =	sshll.u32 s0, $0x1  }
0x6: {  	s13 =	simm.s32 $0x0;
	s1 =	rddreg [dreg:$0x3];
	s7 =	sor.u32 s3, s7  }
0x7: {  	[smem:$0x7FF] =	sst s2;
	s8 =	ssub.s32 $0x2, s3;
	s7 =	smul.u32 $0xC80, s7  }
0x8: {  	_ =	strace $0x80000047;
	s3 =	sadd.s32 $0x1000, s4;
	s9 =	sshrl.u32 s8, $0x1  }
0x9: {  	s8 =	ssub.s32 s8, s9;
	s9 =	simm.s32 $0x2;
	s10 =	sadd.s32 s7, s4  }
0xa: {  	s4 =	sadd.s32 s5, s7;
	s6 =	sadd.s32 s6, s7;
	s8 =	smax.u32 s8, $0x1  }
0xb: {  	s5 =	sadd.s32 $0x21000, s10;
	s7 =	sadd.s32 $0x3A000, s10;
	s10 =	simm.s32 $0x80  }
.LBB2_1:
0xc: {  	[tilespmem:s2], [sflag:$0x2] =	stream.linear.gather [hbm4b:s4+s2], $0x6400, $0x38;
	[tilespmem:$0xC800] =	vst v63  }
0xd: {  	_ =	swait.ge [sflag:s9], $0x6400  }
0xe: {  	[sflag:s9] =	ssyncset.done $0x0  }
0xf: {  	s14 =	simm.s32 $0x0;
	s15 =	simm.s32 $0x6400;
	[sflag:s9] =	ssyncadd.s32 $0xFFFF9C00  }
0x10: {  	[tilespmem:s15], [sflag:$0x1] =	stream.indirect.gather [hbm4b:s3+s10], $0x1, s14, s10, $0xb8;
	[tilespmem:$0xC800] =	vst v63  }
0x11: {  	s17 =	simm.s32 $0x6480;
	s18 =	simm.s32 $0x80  }
0x12: {  	[tilespmem:s17], [sflag:$0x1] =	stream.indirect.gather [hbm4b:s3+s10], $0x1, s18, s10, $0xb8;
	[tilespmem:$0xC800] =	vst v63  }
0x13: {  	s19 =	simm.s32 $0x6500;
	s20 =	simm.s32 $0x100  }
0x14: {  	[tilespmem:s19], [sflag:$0x1] =	stream.indirect.gather [hbm4b:s3+s10], $0x1, s20, s10, $0xb8;
	[tilespmem:$0xC800] =	vst v63  }
0x15: {  	s21 =	simm.s32 $0x6580;
	s22 =	simm.s32 $0x180  }
0x16: {  	[tilespmem:s21], [sflag:$0x1] =	stream.indirect.gather [hbm4b:s3+s10], $0x1, s22, s10, $0xb8;
	[tilespmem:$0xC800] =	vst v63  }
0x17: {  	s23 =	simm.s32 $0x6600;
	s24 =	simm.s32 $0x200  }
0x18: {  	[tilespmem:s23], [sflag:$0x1] =	stream.indirect.gather [hbm4b:s3+s10], $0x1, s24, s10, $0xb8;
	[tilespmem:$0xC800] =	vst v63  }
0x19: {  	s25 =	simm.s32 $0x6680;
	s26 =	simm.s32 $0x280  }
0x1a: {  	[tilespmem:s25], [sflag:$0x1] =	stream.indirect.gather [hbm4b:s3+s10], $0x1, s26, s10, $0xb8;
	[tilespmem:$0xC800] =	vst v63  }
0x1b: {  	s28 =	simm.s32 $0x6700;
	s29 =	simm.s32 $0x300  }
0x1c: {  	[tilespmem:s28], [sflag:$0x1] =	stream.indirect.gather [hbm4b:s3+s10], $0x1, s29, s10, $0xb8;
	[tilespmem:$0xC800] =	vst v63  }
0x1d: {  	s30 =	simm.s32 $0x6780;
	s31 =	simm.s32 $0x380  }
0x1e: {  	[tilespmem:s30], [sflag:$0x1] =	stream.indirect.gather [hbm4b:s3+s10], $0x1, s31, s10, $0xb8;
	[tilespmem:$0xC800] =	vst v63  }
0x1f: {  	_ =	swait.ge [sflag:s11], $0x80  }
0x20: {  	[sflag:s11] =	ssyncset.done $0x0  }
0x21: {  	[sflag:s11] =	ssyncadd.s32 $0xFFFFFF80  }
0x22: {  	_ =	swait.ge [sflag:s11], $0x80  }
0x23: {  	[sflag:s11] =	ssyncset.done $0x0  }
0x24: {  	[sflag:s11] =	ssyncadd.s32 $0xFFFFFF80  }
0x25: {  	_ =	swait.ge [sflag:s11], $0x80  }
0x26: {  	[sflag:s11] =	ssyncset.done $0x0  }
0x27: {  	[sflag:s11] =	ssyncadd.s32 $0xFFFFFF80  }
0x28: {  	_ =	swait.ge [sflag:s11], $0x80  }
0x29: {  	[sflag:s11] =	ssyncset.done $0x0  }
0x2a: {  	[sflag:s11] =	ssyncadd.s32 $0xFFFFFF80  }
0x2b: {  	_ =	swait.ge [sflag:s11], $0x80  }
0x2c: {  	[sflag:s11] =	ssyncset.done $0x0  }
0x2d: {  	[sflag:s11] =	ssyncadd.s32 $0xFFFFFF80  }
0x2e: {  	_ =	swait.ge [sflag:s11], $0x80  }
0x2f: {  	[sflag:s11] =	ssyncset.done $0x0  }
0x30: {  	[sflag:s11] =	ssyncadd.s32 $0xFFFFFF80  }
0x31: {  	_ =	swait.ge [sflag:s11], $0x80  }
0x32: {  	[sflag:s11] =	ssyncset.done $0x0  }
0x33: {  	[sflag:s11] =	ssyncadd.s32 $0xFFFFFF80  }
0x34: {  	_ =	swait.ge [sflag:s11], $0x80  }
0x35: {  	s16 =	simm.s32 $0x400;
	s17 =	simm.s32 $0x2000;
	[sflag:s11] =	ssyncset.done $0x0  }
.LBB2_2:
0x36: {  	s18 =	sadd.s32 $0x6400, s16  }
0x37: {  	[sflag:s11] =	ssyncadd.s32 $0xFFFFFF80;
	s15 =	smov.u32 s17;
	s14 =	sadd.s32 $0x1000, s17  }
0x38: {  	[tilespmem:s18], [sflag:$0x1] =	stream.indirect.gather [hbm4b:s3+s10], $0x1, s16, s10, $0xb8;
	[tilespmem:$0xC800] =	vst v63  }
0x39: {  	p0 =	sne.s32 s17, $0x18000;
	s17 =	sadd.s32 $0x6480, s16;
	s18 =	sadd.s32 $0x80, s16  }
0x3a: {  	[tilespmem:s17], [sflag:$0x1] =	stream.indirect.gather [hbm4b:s3+s10], $0x1, s18, s10, $0xb8;
	[tilespmem:$0xC800] =	vst v63  }
0x3b: {  	s17 =	sadd.s32 $0x6500, s16;
	s18 =	sadd.s32 $0x100, s16  }
0x3c: {  	[tilespmem:s17], [sflag:$0x1] =	stream.indirect.gather [hbm4b:s3+s10], $0x1, s18, s10, $0xb8;
	[tilespmem:$0xC800] =	vst v63  }
0x3d: {  	s17 =	sadd.s32 $0x6580, s16;
	s18 =	sadd.s32 $0x180, s16  }
0x3e: {  	[tilespmem:s17], [sflag:$0x1] =	stream.indirect.gather [hbm4b:s3+s10], $0x1, s18, s10, $0xb8;
	[tilespmem:$0xC800] =	vst v63  }
0x3f: {  	s17 =	sadd.s32 $0x6600, s16;
	s18 =	sadd.s32 $0x200, s16  }
0x40: {  	[tilespmem:s17], [sflag:$0x1] =	stream.indirect.gather [hbm4b:s3+s10], $0x1, s18, s10, $0xb8;
	[tilespmem:$0xC800] =	vst v63  }
0x41: {  	s17 =	sadd.s32 $0x6680, s16;
	s18 =	sadd.s32 $0x280, s16  }
0x42: {  	[tilespmem:s17], [sflag:$0x1] =	stream.indirect.gather [hbm4b:s3+s10], $0x1, s18, s10, $0xb8;
	[tilespmem:$0xC800] =	vst v63  }
0x43: {  	s17 =	sadd.s32 $0x6700, s16;
	s18 =	sadd.s32 $0x300, s16  }
0x44: {  	[tilespmem:s17], [sflag:$0x1] =	stream.indirect.gather [hbm4b:s3+s10], $0x1, s18, s10, $0xb8;
	[tilespmem:$0xC800] =	vst v63  }
0x45: {  	s17 =	sadd.s32 $0x6780, s16;
	s16 =	sadd.s32 $0x380, s16  }
0x46: {  	[tilespmem:s17], [sflag:$0x1] =	stream.indirect.gather [hbm4b:s3+s10], $0x1, s16, s10, $0xb8;
	[tilespmem:$0xC800] =	vst v63  }
0x47: {  	_ =	swait.ge [sflag:s11], $0x80  }
0x48: {  	[sflag:s11] =	ssyncset.done $0x0  }
0x49: {  	[sflag:s11] =	ssyncadd.s32 $0xFFFFFF80  }
0x4a: {  	_ =	swait.ge [sflag:s11], $0x80  }
0x4b: {  	[sflag:s11] =	ssyncset.done $0x0  }
0x4c: {  	[sflag:s11] =	ssyncadd.s32 $0xFFFFFF80  }
0x4d: {  	_ =	swait.ge [sflag:s11], $0x80  }
0x4e: {  	[sflag:s11] =	ssyncset.done $0x0  }
0x4f: {  	[sflag:s11] =	ssyncadd.s32 $0xFFFFFF80  }
0x50: {  	_ =	swait.ge [sflag:s11], $0x80  }
0x51: {  	[sflag:s11] =	ssyncset.done $0x0  }
0x52: {  	[sflag:s11] =	ssyncadd.s32 $0xFFFFFF80  }
0x53: {  	_ =	swait.ge [sflag:s11], $0x80  }
0x54: {  	[sflag:s11] =	ssyncset.done $0x0  }
0x55: {  	[sflag:s11] =	ssyncadd.s32 $0xFFFFFF80  }
0x56: {  	_ =	swait.ge [sflag:s11], $0x80  }
0x57: {  	[sflag:s11] =	ssyncset.done $0x0  }
0x58: {  	[sflag:s11] =	ssyncadd.s32 $0xFFFFFF80  }
.Ltmp0:
0x59: {  	_ =	swait.ge [sflag:s11], $0x80;
	(pc) =	sbr.rel @p0 .LBB2_2-.Ltmp0, $4  }
0x5a: {  	[sflag:s11] =	ssyncset.done $0x0  }
0x5b: {  	[sflag:s11] =	ssyncadd.s32 $0xFFFFFF80  }
0x5c: {  	_ =	swait.ge [sflag:s11], $0x80  }
0x5d: {  	s16 =	sshra.s32 s15, $0x2;
	s17 =	smov.u32 s14;
	[sflag:s11] =	ssyncset.done $0x0  }
0x5e: {  	s14 =	sadd.s32 $0x6400, s16;
	[sflag:s11] =	ssyncadd.s32 $0xFFFFFF80  }
0x5f: {  	[tilespmem:s14], [sflag:$0x1] =	stream.indirect.gather [hbm4b:s3+s10], $0x1, s16, s10, $0xb8;
	[tilespmem:$0xC800] =	vst v63  }
0x60: {  	s17 =	sadd.s32 $0x6480, s16;
	s15 =	sadd.s32 $0x80, s16  }
0x61: {  	[tilespmem:s17], [sflag:$0x1] =	stream.indirect.gather [hbm4b:s3+s10], $0x1, s15, s10, $0xb8;
	[tilespmem:$0xC800] =	vst v63  }
0x62: {  	s18 =	sadd.s32 $0x6500, s16;
	s19 =	sadd.s32 $0x100, s16  }
0x63: {  	[tilespmem:s18], [sflag:$0x1] =	stream.indirect.gather [hbm4b:s3+s10], $0x1, s19, s10, $0xb8;
	[tilespmem:$0xC800] =	vst v63  }
0x64: {  	s20 =	sadd.s32 $0x6580, s16;
	s21 =	sadd.s32 $0x180, s16  }
0x65: {  	[tilespmem:s20], [sflag:$0x1] =	stream.indirect.gather [hbm4b:s3+s10], $0x1, s21, s10, $0xb8;
	[tilespmem:$0xC800] =	vst v63  }
0x66: {  	s22 =	sadd.s32 $0x6600, s16;
	s23 =	sadd.s32 $0x200, s16  }
0x67: {  	[tilespmem:s22], [sflag:$0x1] =	stream.indirect.gather [hbm4b:s3+s10], $0x1, s23, s10, $0xb8;
	[tilespmem:$0xC800] =	vst v63  }
0x68: {  	s24 =	sadd.s32 $0x6680, s16;
	s25 =	sadd.s32 $0x280, s16  }
0x69: {  	[tilespmem:s24], [sflag:$0x1] =	stream.indirect.gather [hbm4b:s3+s10], $0x1, s25, s10, $0xb8;
	[tilespmem:$0xC800] =	vst v63  }
0x6a: {  	s26 =	sadd.s32 $0x6700, s16;
	s28 =	sadd.s32 $0x300, s16  }
0x6b: {  	[tilespmem:s26], [sflag:$0x1] =	stream.indirect.gather [hbm4b:s3+s10], $0x1, s28, s10, $0xb8;
	[tilespmem:$0xC800] =	vst v63  }
0x6c: {  	s29 =	sadd.s32 $0x6780, s16;
	s30 =	sadd.s32 $0x380, s16  }
0x6d: {  	[tilespmem:s29], [sflag:$0x1] =	stream.indirect.gather [hbm4b:s3+s10], $0x1, s30, s10, $0xb8;
	[tilespmem:$0xC800] =	vst v63  }
0x6e: {  	_ =	swait.ge [sflag:s11], $0x80  }
0x6f: {  	[sflag:s11] =	ssyncset.done $0x0  }
0x70: {  	[sflag:s11] =	ssyncadd.s32 $0xFFFFFF80  }
0x71: {  	_ =	swait.ge [sflag:s11], $0x80  }
0x72: {  	[sflag:s11] =	ssyncset.done $0x0  }
0x73: {  	[sflag:s11] =	ssyncadd.s32 $0xFFFFFF80  }
0x74: {  	_ =	swait.ge [sflag:s11], $0x80  }
0x75: {  	[sflag:s11] =	ssyncset.done $0x0  }
0x76: {  	[sflag:s11] =	ssyncadd.s32 $0xFFFFFF80  }
0x77: {  	_ =	swait.ge [sflag:s11], $0x80  }
0x78: {  	[sflag:s11] =	ssyncset.done $0x0  }
0x79: {  	[sflag:s11] =	ssyncadd.s32 $0xFFFFFF80  }
0x7a: {  	_ =	swait.ge [sflag:s11], $0x80  }
0x7b: {  	[sflag:s11] =	ssyncset.done $0x0  }
0x7c: {  	[sflag:s11] =	ssyncadd.s32 $0xFFFFFF80  }
0x7d: {  	_ =	swait.ge [sflag:s11], $0x80  }
0x7e: {  	[sflag:s11] =	ssyncset.done $0x0  }
0x7f: {  	[sflag:s11] =	ssyncadd.s32 $0xFFFFFF80  }
0x80: {  	_ =	swait.ge [sflag:s11], $0x80  }
0x81: {  	[sflag:s11] =	ssyncset.done $0x0  }
0x82: {  	[sflag:s11] =	ssyncadd.s32 $0xFFFFFF80  }
0x83: {  	_ =	swait.ge [sflag:s11], $0x80  }
0x84: {  	[sflag:s11] =	ssyncset.done $0x0  }
0x85: {  	s31 =	simm.s32 $0x0;
	[sflag:s11] =	ssyncadd.s32 $0xFFFFFF80  }
0x86: {  	[hbm4b:s5+s31] =	stream.linear.scatter [tilespmem:s12], [sflag:$0x2], $0x6400, $0x38;
	[tilespmem:$0xC800] =	vst v63  }
0x87: {  	_ =	swait.ge [sflag:s9], $0x6400  }
0x88: {  	[sflag:s9] =	ssyncset.done $0x0  }
0x89: {  	[sflag:s9] =	ssyncadd.s32 $0xFFFF9C00  }
0x8a: {  	[tilespmem:s31], [sflag:$0x2] =	stream.linear.gather [hbm4b:s6+s31], $0x6400, $0x38;
	[tilespmem:$0xC800] =	vst v63  }
0x8b: {  	_ =	swait.ge [sflag:s9], $0x6400  }
0x8c: {  	[sflag:s9] =	ssyncset.done $0x0  }
0x8d: {  	s16 =	simm.s32 $0x6400;
	s15 =	simm.s32 $0x0;
	[sflag:s9] =	ssyncadd.s32 $0xFFFF9C00  }
0x8e: {  	[tilespmem:s16], [sflag:$0x1] =	stream.indirect.gather [hbm4b:s3+s10], $0x1, s15, s10, $0xb8;
	[tilespmem:$0xC800] =	vst v63  }
0x8f: {  	s17 =	simm.s32 $0x6480;
	s18 =	simm.s32 $0x80  }
0x90: {  	[tilespmem:s17], [sflag:$0x1] =	stream.indirect.gather [hbm4b:s3+s10], $0x1, s18, s10, $0xb8;
	[tilespmem:$0xC800] =	vst v63  }
0x91: {  	s19 =	simm.s32 $0x6500;
	s20 =	simm.s32 $0x100  }
0x92: {  	[tilespmem:s19], [sflag:$0x1] =	stream.indirect.gather [hbm4b:s3+s10], $0x1, s20, s10, $0xb8;
	[tilespmem:$0xC800] =	vst v63  }
0x93: {  	s21 =	simm.s32 $0x6580;
	s22 =	simm.s32 $0x180  }
0x94: {  	[tilespmem:s21], [sflag:$0x1] =	stream.indirect.gather [hbm4b:s3+s10], $0x1, s22, s10, $0xb8;
	[tilespmem:$0xC800] =	vst v63  }
0x95: {  	s23 =	simm.s32 $0x6600;
	s24 =	simm.s32 $0x200  }
0x96: {  	[tilespmem:s23], [sflag:$0x1] =	stream.indirect.gather [hbm4b:s3+s10], $0x1, s24, s10, $0xb8;
	[tilespmem:$0xC800] =	vst v63  }
0x97: {  	s25 =	simm.s32 $0x6680;
	s26 =	simm.s32 $0x280  }
0x98: {  	[tilespmem:s25], [sflag:$0x1] =	stream.indirect.gather [hbm4b:s3+s10], $0x1, s26, s10, $0xb8;
	[tilespmem:$0xC800] =	vst v63  }
0x99: {  	s28 =	simm.s32 $0x6700;
	s29 =	simm.s32 $0x300  }
0x9a: {  	[tilespmem:s28], [sflag:$0x1] =	stream.indirect.gather [hbm4b:s3+s10], $0x1, s29, s10, $0xb8;
	[tilespmem:$0xC800] =	vst v63  }
0x9b: {  	s30 =	simm.s32 $0x6780;
	s31 =	simm.s32 $0x380  }
0x9c: {  	[tilespmem:s30], [sflag:$0x1] =	stream.indirect.gather [hbm4b:s3+s10], $0x1, s31, s10, $0xb8;
	[tilespmem:$0xC800] =	vst v63  }
0x9d: {  	_ =	swait.ge [sflag:s11], $0x80  }
0x9e: {  	[sflag:s11] =	ssyncset.done $0x0  }
0x9f: {  	[sflag:s11] =	ssyncadd.s32 $0xFFFFFF80  }
0xa0: {  	_ =	swait.ge [sflag:s11], $0x80  }
0xa1: {  	[sflag:s11] =	ssyncset.done $0x0  }
0xa2: {  	[sflag:s11] =	ssyncadd.s32 $0xFFFFFF80  }
0xa3: {  	_ =	swait.ge [sflag:s11], $0x80  }
0xa4: {  	[sflag:s11] =	ssyncset.done $0x0  }
0xa5: {  	[sflag:s11] =	ssyncadd.s32 $0xFFFFFF80  }
0xa6: {  	_ =	swait.ge [sflag:s11], $0x80  }
0xa7: {  	[sflag:s11] =	ssyncset.done $0x0  }
0xa8: {  	[sflag:s11] =	ssyncadd.s32 $0xFFFFFF80  }
0xa9: {  	_ =	swait.ge [sflag:s11], $0x80  }
0xaa: {  	[sflag:s11] =	ssyncset.done $0x0  }
0xab: {  	[sflag:s11] =	ssyncadd.s32 $0xFFFFFF80  }
0xac: {  	_ =	swait.ge [sflag:s11], $0x80  }
0xad: {  	[sflag:s11] =	ssyncset.done $0x0  }
0xae: {  	[sflag:s11] =	ssyncadd.s32 $0xFFFFFF80  }
0xaf: {  	_ =	swait.ge [sflag:s11], $0x80  }
0xb0: {  	[sflag:s11] =	ssyncset.done $0x0  }
0xb1: {  	[sflag:s11] =	ssyncadd.s32 $0xFFFFFF80  }
0xb2: {  	_ =	swait.ge [sflag:s11], $0x80  }
0xb3: {  	s16 =	simm.s32 $0x400;
	s17 =	simm.s32 $0x2000;
	[sflag:s11] =	ssyncset.done $0x0  }
.LBB2_4:
0xb4: {  	s18 =	sadd.s32 $0x6400, s16  }
0xb5: {  	[sflag:s11] =	ssyncadd.s32 $0xFFFFFF80;
	s15 =	smov.u32 s17;
	s14 =	sadd.s32 $0x1000, s17  }
0xb6: {  	[tilespmem:s18], [sflag:$0x1] =	stream.indirect.gather [hbm4b:s3+s10], $0x1, s16, s10, $0xb8;
	[tilespmem:$0xC800] =	vst v63  }
0xb7: {  	p0 =	sne.s32 s17, $0x18000;
	s17 =	sadd.s32 $0x6480, s16;
	s18 =	sadd.s32 $0x80, s16  }
0xb8: {  	[tilespmem:s17], [sflag:$0x1] =	stream.indirect.gather [hbm4b:s3+s10], $0x1, s18, s10, $0xb8;
	[tilespmem:$0xC800] =	vst v63  }
0xb9: {  	s17 =	sadd.s32 $0x6500, s16;
	s18 =	sadd.s32 $0x100, s16  }
0xba: {  	[tilespmem:s17], [sflag:$0x1] =	stream.indirect.gather [hbm4b:s3+s10], $0x1, s18, s10, $0xb8;
	[tilespmem:$0xC800] =	vst v63  }
0xbb: {  	s17 =	sadd.s32 $0x6580, s16;
	s18 =	sadd.s32 $0x180, s16  }
0xbc: {  	[tilespmem:s17], [sflag:$0x1] =	stream.indirect.gather [hbm4b:s3+s10], $0x1, s18, s10, $0xb8;
	[tilespmem:$0xC800] =	vst v63  }
0xbd: {  	s17 =	sadd.s32 $0x6600, s16;
	s18 =	sadd.s32 $0x200, s16  }
0xbe: {  	[tilespmem:s17], [sflag:$0x1] =	stream.indirect.gather [hbm4b:s3+s10], $0x1, s18, s10, $0xb8;
	[tilespmem:$0xC800] =	vst v63  }
0xbf: {  	s17 =	sadd.s32 $0x6680, s16;
	s18 =	sadd.s32 $0x280, s16  }
0xc0: {  	[tilespmem:s17], [sflag:$0x1] =	stream.indirect.gather [hbm4b:s3+s10], $0x1, s18, s10, $0xb8;
	[tilespmem:$0xC800] =	vst v63  }
0xc1: {  	s17 =	sadd.s32 $0x6700, s16;
	s18 =	sadd.s32 $0x300, s16  }
0xc2: {  	[tilespmem:s17], [sflag:$0x1] =	stream.indirect.gather [hbm4b:s3+s10], $0x1, s18, s10, $0xb8;
	[tilespmem:$0xC800] =	vst v63  }
0xc3: {  	s17 =	sadd.s32 $0x6780, s16;
	s16 =	sadd.s32 $0x380, s16  }
0xc4: {  	[tilespmem:s17], [sflag:$0x1] =	stream.indirect.gather [hbm4b:s3+s10], $0x1, s16, s10, $0xb8;
	[tilespmem:$0xC800] =	vst v63  }
0xc5: {  	_ =	swait.ge [sflag:s11], $0x80  }
0xc6: {  	[sflag:s11] =	ssyncset.done $0x0  }
0xc7: {  	[sflag:s11] =	ssyncadd.s32 $0xFFFFFF80  }
0xc8: {  	_ =	swait.ge [sflag:s11], $0x80  }
0xc9: {  	[sflag:s11] =	ssyncset.done $0x0  }
0xca: {  	[sflag:s11] =	ssyncadd.s32 $0xFFFFFF80  }
0xcb: {  	_ =	swait.ge [sflag:s11], $0x80  }
0xcc: {  	[sflag:s11] =	ssyncset.done $0x0  }
0xcd: {  	[sflag:s11] =	ssyncadd.s32 $0xFFFFFF80  }
0xce: {  	_ =	swait.ge [sflag:s11], $0x80  }
0xcf: {  	[sflag:s11] =	ssyncset.done $0x0  }
0xd0: {  	[sflag:s11] =	ssyncadd.s32 $0xFFFFFF80  }
0xd1: {  	_ =	swait.ge [sflag:s11], $0x80  }
0xd2: {  	[sflag:s11] =	ssyncset.done $0x0  }
0xd3: {  	[sflag:s11] =	ssyncadd.s32 $0xFFFFFF80  }
0xd4: {  	_ =	swait.ge [sflag:s11], $0x80  }
0xd5: {  	[sflag:s11] =	ssyncset.done $0x0  }
0xd6: {  	[sflag:s11] =	ssyncadd.s32 $0xFFFFFF80  }
.Ltmp1:
0xd7: {  	_ =	swait.ge [sflag:s11], $0x80;
	(pc) =	sbr.rel @p0 .LBB2_4-.Ltmp1, $4  }
0xd8: {  	[sflag:s11] =	ssyncset.done $0x0  }
0xd9: {  	[sflag:s11] =	ssyncadd.s32 $0xFFFFFF80  }
0xda: {  	_ =	swait.ge [sflag:s11], $0x80  }
0xdb: {  	s16 =	sshra.s32 s15, $0x2;
	s17 =	smov.u32 s14;
	[sflag:s11] =	ssyncset.done $0x0  }
0xdc: {  	s14 =	sadd.s32 $0x6400, s16;
	[sflag:s11] =	ssyncadd.s32 $0xFFFFFF80  }
0xdd: {  	[tilespmem:s14], [sflag:$0x1] =	stream.indirect.gather [hbm4b:s3+s10], $0x1, s16, s10, $0xb8;
	[tilespmem:$0xC800] =	vst v63  }
0xde: {  	s18 =	sadd.s32 $0x6480, s16;
	s15 =	sadd.s32 $0x80, s16  }
0xdf: {  	[tilespmem:s18], [sflag:$0x1] =	stream.indirect.gather [hbm4b:s3+s10], $0x1, s15, s10, $0xb8;
	[tilespmem:$0xC800] =	vst v63  }
0xe0: {  	s19 =	sadd.s32 $0x6500, s16;
	s20 =	sadd.s32 $0x100, s16  }
0xe1: {  	[tilespmem:s19], [sflag:$0x1] =	stream.indirect.gather [hbm4b:s3+s10], $0x1, s20, s10, $0xb8;
	[tilespmem:$0xC800] =	vst v63  }
0xe2: {  	s21 =	sadd.s32 $0x6580, s16;
	s22 =	sadd.s32 $0x180, s16  }
0xe3: {  	[tilespmem:s21], [sflag:$0x1] =	stream.indirect.gather [hbm4b:s3+s10], $0x1, s22, s10, $0xb8;
	[tilespmem:$0xC800] =	vst v63  }
0xe4: {  	s23 =	sadd.s32 $0x6600, s16;
	s24 =	sadd.s32 $0x200, s16  }
0xe5: {  	[tilespmem:s23], [sflag:$0x1] =	stream.indirect.gather [hbm4b:s3+s10], $0x1, s24, s10, $0xb8;
	[tilespmem:$0xC800] =	vst v63  }
0xe6: {  	s25 =	sadd.s32 $0x6680, s16;
	s26 =	sadd.s32 $0x280, s16  }
0xe7: {  	[tilespmem:s25], [sflag:$0x1] =	stream.indirect.gather [hbm4b:s3+s10], $0x1, s26, s10, $0xb8;
	[tilespmem:$0xC800] =	vst v63  }
0xe8: {  	s28 =	sadd.s32 $0x6700, s16;
	s29 =	sadd.s32 $0x300, s16  }
0xe9: {  	[tilespmem:s28], [sflag:$0x1] =	stream.indirect.gather [hbm4b:s3+s10], $0x1, s29, s10, $0xb8;
	[tilespmem:$0xC800] =	vst v63  }
0xea: {  	s30 =	sadd.s32 $0x6780, s16;
	s31 =	sadd.s32 $0x380, s16  }
0xeb: {  	[tilespmem:s30], [sflag:$0x1] =	stream.indirect.gather [hbm4b:s3+s10], $0x1, s31, s10, $0xb8;
	[tilespmem:$0xC800] =	vst v63  }
0xec: {  	_ =	swait.ge [sflag:s11], $0x80  }
0xed: {  	[sflag:s11] =	ssyncset.done $0x0  }
0xee: {  	[sflag:s11] =	ssyncadd.s32 $0xFFFFFF80  }
0xef: {  	_ =	swait.ge [sflag:s11], $0x80  }
0xf0: {  	[sflag:s11] =	ssyncset.done $0x0  }
0xf1: {  	[sflag:s11] =	ssyncadd.s32 $0xFFFFFF80  }
0xf2: {  	_ =	swait.ge [sflag:s11], $0x80  }
0xf3: {  	[sflag:s11] =	ssyncset.done $0x0  }
0xf4: {  	[sflag:s11] =	ssyncadd.s32 $0xFFFFFF80  }
0xf5: {  	_ =	swait.ge [sflag:s11], $0x80  }
0xf6: {  	[sflag:s11] =	ssyncset.done $0x0  }
0xf7: {  	[sflag:s11] =	ssyncadd.s32 $0xFFFFFF80  }
0xf8: {  	_ =	swait.ge [sflag:s11], $0x80  }
0xf9: {  	[sflag:s11] =	ssyncset.done $0x0  }
0xfa: {  	[sflag:s11] =	ssyncadd.s32 $0xFFFFFF80  }
0xfb: {  	_ =	swait.ge [sflag:s11], $0x80  }
0xfc: {  	[sflag:s11] =	ssyncset.done $0x0  }
0xfd: {  	[sflag:s11] =	ssyncadd.s32 $0xFFFFFF80  }
0xfe: {  	_ =	swait.ge [sflag:s11], $0x80  }
0xff: {  	[sflag:s11] =	ssyncset.done $0x0  }
0x100: {  	[sflag:s11] =	ssyncadd.s32 $0xFFFFFF80  }
0x101: {  	s13 =	sadd.s32 $0x1, s13;
	_ =	swait.ge [sflag:s11], $0x80  }
0x102: {  	p0 =	sne.s32 s13, s8;
	[sflag:s11] =	ssyncset.done $0x0  }
.Ltmp2:
0x103: {  	[sflag:s11] =	ssyncadd.s32 $0xFFFFFF80;
	(pc) =	sbr.rel @p0 .LBB2_1-.Ltmp2, $4  }
0x104: {  	[hbm4b:s7+s2] =	stream.linear.scatter [tilespmem:s12], [sflag:$0x2], $0x6400, $0x38;
	[tilespmem:$0xC800] =	vst v63  }
0x105: {  	_ =	swait.ge [sflag:s9], $0x6400  }
0x106: {  	[sflag:s9] =	ssyncset.done $0x0  }
0x107: {  	[sflag:s9] =	ssyncadd.s32 $0xFFFF9C00  }
0x108: {  	_ =	sfence.sel $0x180000  }
0x109: {  	[bflag:$0x0] =	sbarrier.arrive $0xFFFF  }
0x10a: {  	p0 =	sne.s32 s0, $0x0;
	_ =	strace $0x90000047  }
0x10b: {  	s0 =	sadd.s32 @!p0 $0x100000, s1;
	[bflag:$0x2] =	sbarrier.arrive $0xFFFF  }
0x10c: {  	[sflag:s0] =	ssyncadd.tile.s32 @!p0 $0x1;
	_ =	shalt  }
.Lfunc_end2:
_tile_overlayer_lowered:
.L_overlay_start_2:
0x10d: {  	(tag) =	ssettag $0x2  }
0x10e: {  	s0 =	rddreg [dreg:$0x0];
	s2 =	stileid.u32  }
0x10f: {  	s1 =	rddreg [dreg:$0x1];
	p0 =	sne.s32 s2, $0x0  }
0x110: {  	s3 =	rddreg [dreg:$0x2];
	[bflag:$0x3] =	sbarrier.arrive $0xFFFF;
	s2 =	simm.s32 @!p0 $0x1C02  }
0x111: {  	[timem:s3], [sflag:s2] =	dma.local @!p0 [hbm:s0], s1  }
0x112: {  	s0 =	simm.s32 @!p0 $0x2  }
0x113: {  	_ =	swait.ge @!p0 [sflag:s0], s1  }
0x114: {  	s1 =	ssub.s32 @!p0 $0x0, s1;
	[sflag:s0] =	ssyncset.done @!p0 $0x0  }
0x115: {  	[sflag:s0] =	ssyncadd.s32 @!p0 s1  }
0x116: {  	[bflag:$0x3] =	sbarrier.arrive $0xFFFF  }
0x117: {  	_ =	shalt  }

</sc_bundles>
